<compile_context>
chip_gen: v7x
topology: tpu7x:2x2x1
jax: 0.10.2.dev20260603
libtpu: 0.0.44.dev20260713+nightly
codegen_flags: <defaults>
</compile_context>

<pallas_src>
import functools

import jax
import jax.numpy as jnp
from jax import lax
from jax.experimental import pallas as pl
from jax.experimental.pallas import tpu as pltpu
from jax.experimental.pallas import tpu_sc as plsc

N = 10000
D = 128
E = 320000
NW = 32
EPW = E // NW
C = 80
NCHUNK = EPW // C
NBUF = 4
NSTEP = (NCHUNK + NBUF - 1) // NBUF

_mesh = plsc.VectorSubcoreMesh(core_axis_name="c", subcore_axis_name="s")


@functools.partial(
    pl.kernel,
    mesh=_mesh,
    out_type=jax.ShapeDtypeStruct((E,), jnp.float32),
    compiler_params=pltpu.CompilerParams(needs_layout_passes=False, use_tc_tiling_on_sc=False),
    scratch_types=[
        pltpu.VMEM((EPW,), jnp.int32),
        pltpu.VMEM((EPW,), jnp.int32),
        pltpu.VMEM((NBUF, C, D // 2), jnp.int32),
        pltpu.VMEM((NBUF, C, D // 2), jnp.int32),
        pltpu.VMEM((EPW,), jnp.float32),
        pltpu.VMEM_SHARED((N, D // 2), jnp.int32),
        pltpu.SemaphoreType.DMA,
        pltpu.SemaphoreType.DMA,
        pltpu.SemaphoreType.DMA,
        pltpu.SemaphoreType.DMA,
    ],
)
def _edge_scores(z_hbm, u_hbm, v_hbm, out_hbm,
                 ui, vi, zur, zvr, sc, zs, *sems):
    sid = lax.axis_index("s")
    wid = sid * 2 + lax.axis_index("c")
    base = wid * EPW
    lane = lax.iota(jnp.int32, 16)

    rows_per = 624
    pltpu.sync_copy(z_hbm.at[pl.ds(sid * rows_per, rows_per)],
                    zs.at[pl.ds(sid * rows_per, rows_per)])

    @pl.when(sid == 0)
    def _():
        pltpu.sync_copy(z_hbm.at[pl.ds(9984, N - 9984)],
                        zs.at[pl.ds(9984, N - 9984)])

    pltpu.sync_copy(u_hbm.at[pl.ds(base, EPW)], ui)
    pltpu.sync_copy(v_hbm.at[pl.ds(base, EPW)], vi)
    plsc.subcore_barrier()

    def issue(ci, b):
        off = ci * C
        pltpu.async_copy(zs.at[ui.at[pl.ds(off, C)]], zur.at[b], sems[b])
        pltpu.async_copy(zs.at[vi.at[pl.ds(off, C)]], zvr.at[b], sems[b])

    def drain(b):
        pltpu.make_async_copy(zs.at[ui.at[pl.ds(0, C)]], zur.at[b], sems[b]).wait()
        pltpu.make_async_copy(zs.at[vi.at[pl.ds(0, C)]], zvr.at[b], sems[b]).wait()

    last_lane = lane == 15

    def compute(ci, b):
        zu = zur.at[b]
        zv = zvr.at[b]

        @plsc.parallel_loop(0, C, 1, unroll=8)
        def _(ea):
            q = []
            for j in range(4):
                wu = plsc.bitcast(zu[ea, pl.ds(j * 16, 16)], jnp.bfloat16)
                wv = plsc.bitcast(zv[ea, pl.ds(j * 16, 16)], jnp.bfloat16)
                q.append(wu * wv)
            qs = (q[0] + q[1]) + (q[2] + q[3])
            a0, a1 = plsc.unpack(qs, format=plsc.PackFormat.INTERLEAVED)
            cs = plsc.cumsum(a0 + a1)
            sig = 1.0 / (1.0 + jnp.exp(-cs))
            plsc.store_scatter(sc, [jnp.full((16,), ci * C + ea, jnp.int32)],
                               sig, mask=last_lane)

    for b in range(NBUF - 1):
        issue(b, b)

    def step_body(t, carry):
        for b in range(NBUF):
            ci = t * NBUF + b

            @pl.when(ci < NCHUNK)
            def _():
                drain(b)

                @pl.when(ci + NBUF - 1 < NCHUNK)
                def _():
                    issue(ci + NBUF - 1, (b + NBUF - 1) % NBUF)

                compute(ci, b)
        return carry

    lax.fori_loop(0, NSTEP, step_body, 0)
    pltpu.sync_copy(sc, out_hbm.at[pl.ds(base, EPW)])


def kernel(z, edges):
    e32 = edges.astype(jnp.int32)
    zb = z.astype(jnp.bfloat16)
    zw = lax.bitcast_convert_type(zb.reshape(N, D // 2, 2), jnp.int32)
    return _edge_scores(zw, e32[0], e32[1])

# --- scband reference (transcript-rebuilt; emitter-appended) ---
"""Pipeline reference for scband-dot-decoder-44719199485975 (READ-ONLY COPY).

The authoritative reference and input builder live on the scoring server;
editing this copy changes nothing except your own understanding.
"""

import jax, jax.numpy as jnp
import numpy as np

N = 10000
D = 128
E = 320000

def setup_inputs(seed: int = 0) -> dict:
    key = jax.random.key(seed)
    k1, k2 = jax.random.split(key)
    z = jax.random.normal(k1, (N, D), dtype=jnp.float32)
    edges = jax.random.randint(k2, (2, E), 0, N, dtype=jnp.int64)
    return {"z": z, "edges": edges}

def reference(z, edges):
    u = edges[0]
    v = edges[1]
    zu = jnp.take(z, u, axis=0)
    zv = jnp.take(z, v, axis=0)
    score = jnp.sum(zu * zv, axis=1)
    return jax.nn.sigmoid(score)

if __name__ == "__main__":
    import jax
    _d = setup_inputs()
    print(jax.jit(kernel)(*tuple(_d.values())))

</pallas_src>

<mosaic_0001>
#map = affine_map<(d0, d1) -> (0, 0)>
#map1 = affine_map<(d0, d1) -> (0)>
module attributes {stable_mosaic.version = 14 : i64} {
  func.func @_edge_scores(%arg0: i32, %arg1: i32, %arg2: memref<10000x64xi32, #tpu.memory_space<hbm>>, %arg3: memref<320000xi32, #tpu.memory_space<hbm>>, %arg4: memref<320000xi32, #tpu.memory_space<hbm>>, %arg5: memref<320000xf32, #tpu.memory_space<hbm>>, %arg6: memref<10000xi32, #tpu.memory_space<vmem>>, %arg7: memref<10000xi32, #tpu.memory_space<vmem>>, %arg8: memref<4x80x64xi32, #tpu.memory_space<vmem>>, %arg9: memref<4x80x64xi32, #tpu.memory_space<vmem>>, %arg10: memref<10000xf32, #tpu.memory_space<vmem>>, %arg11: memref<10000x64xi32, #tpu.memory_space<vmem_shared>>, %arg12: memref<!tpu.dma_semaphore, #tpu.memory_space<semaphore_mem>>, %arg13: memref<!tpu.dma_semaphore, #tpu.memory_space<semaphore_mem>>, %arg14: memref<!tpu.dma_semaphore, #tpu.memory_space<semaphore_mem>>, %arg15: memref<!tpu.dma_semaphore, #tpu.memory_space<semaphore_mem>>) attributes {dimension_semantics = [#tpu.dimension_semantics<core_parallel>, #tpu.dimension_semantics<subcore_parallel>], iteration_bounds = array<i64: 2, 16>, scalar_prefetch = 0 : i64, scratch_operands = 10 : i64, tpu.core_type = #tpu.core_type<sc_vector_subcore>, window_params = [{transform_indices = #map}, {transform_indices = #map1}, {transform_indices = #map1}, {transform_indices = #map1}]} {
    %mul3A = arith.constant 2 : i32
    %mul3A_0 = arith.muli %arg1, %mul3A : i32
    %add3A = arith.addi %mul3A_0, %arg0 : i32
    %mul3A_1 = arith.constant 10000 : i32
    %mul3A_2 = arith.muli %add3A, %mul3A_1 : i32
    %iota3A = tpu.iota {dimensions = array<i32: 0>} : vector<16xi32>
    %mul3A_3 = arith.constant 624 : i32
    %mul3A_4 = arith.muli %arg1, %mul3A_3 : i32
    %mul3A_5 = arith.constant 624 : i32
    %mul3A_6 = arith.muli %arg1, %mul3A_5 : i32
    "tpu.region"() ({
      %run_scoped3A = tpu.sem_alloc : memref<!tpu.dma_semaphore, #tpu.memory_space<semaphore_mem>>
      %dma_start3A_76 = arith.constant 0 : i32
      %dma_start3A_77 = tpu.memref_slice %arg11[%mul3A_6, %dma_start3A_76] : memref<10000x64xi32, #tpu.memory_space<vmem_shared>> -> memref<624x64xi32, #tpu.memory_space<vmem_shared>>
      %dma_start3A_78 = arith.constant 0 : i32
      %dma_start3A_79 = tpu.memref_slice %arg2[%mul3A_4, %dma_start3A_78] : memref<10000x64xi32, #tpu.memory_space<hbm>> -> memref<624x64xi32, #tpu.memory_space<hbm>>
      tpu.enqueue_dma source(%dma_start3A_79 : memref<624x64xi32, #tpu.memory_space<hbm>>) target(%dma_start3A_77 : memref<624x64xi32, #tpu.memory_space<vmem_shared>>) target_semaphore(%run_scoped3A : memref<!tpu.dma_semaphore, #tpu.memory_space<semaphore_mem>>)
      %dma_wait3A = arith.constant 0 : i32
      %dma_wait3A_80 = tpu.memref_slice %arg11[%mul3A_6, %dma_wait3A] : memref<10000x64xi32, #tpu.memory_space<vmem_shared>> -> memref<624x64xi32, #tpu.memory_space<vmem_shared>>
      %dma_wait3A_81 = arith.constant 0 : i32
      %dma_wait3A_82 = tpu.memref_slice %arg2[%mul3A_4, %dma_wait3A_81] : memref<10000x64xi32, #tpu.memory_space<hbm>> -> memref<624x64xi32, #tpu.memory_space<hbm>>
      tpu.wait_dma2 semaphore(%run_scoped3A : memref<!tpu.dma_semaphore, #tpu.memory_space<semaphore_mem>>) src(%dma_wait3A_82 : memref<624x64xi32, #tpu.memory_space<hbm>>) dst(%dma_wait3A_80 : memref<624x64xi32, #tpu.memory_space<vmem_shared>>)
      tpu.yield
    }) : () -> ()
    %eq3A = arith.constant 0 : i32
    %eq3A_7 = arith.cmpi eq, %arg1, %eq3A : i32
    %convert_element_type3A = arith.extui %eq3A_7 : i1 to i32
    %cond3A = arith.constant 0 : i32
    %cond3A_8 = arith.cmpi ne, %convert_element_type3A, %cond3A : i32
    scf.if %cond3A_8 {
      "tpu.region"() ({
        %run_scoped3A = tpu.sem_alloc : memref<!tpu.dma_semaphore, #tpu.memory_space<semaphore_mem>>
        %dma_start3A_76 = arith.constant 9984 : i32
        %dma_start3A_77 = arith.constant 0 : i32
        %dma_start3A_78 = tpu.memref_slice %arg11[%dma_start3A_76, %dma_start3A_77] : memref<10000x64xi32, #tpu.memory_space<vmem_shared>> -> memref<16x64xi32, #tpu.memory_space<vmem_shared>>
        %dma_start3A_79 = arith.constant 9984 : i32
        %dma_start3A_80 = arith.constant 0 : i32
        %dma_start3A_81 = tpu.memref_slice %arg2[%dma_start3A_79, %dma_start3A_80] : memref<10000x64xi32, #tpu.memory_space<hbm>> -> memref<16x64xi32, #tpu.memory_space<hbm>>
        tpu.enqueue_dma source(%dma_start3A_81 : memref<16x64xi32, #tpu.memory_space<hbm>>) target(%dma_start3A_78 : memref<16x64xi32, #tpu.memory_space<vmem_shared>>) target_semaphore(%run_scoped3A : memref<!tpu.dma_semaphore, #tpu.memory_space<semaphore_mem>>)
        %dma_wait3A = arith.constant 9984 : i32
        %dma_wait3A_82 = arith.constant 0 : i32
        %dma_wait3A_83 = tpu.memref_slice %arg11[%dma_wait3A, %dma_wait3A_82] : memref<10000x64xi32, #tpu.memory_space<vmem_shared>> -> memref<16x64xi32, #tpu.memory_space<vmem_shared>>
        %dma_wait3A_84 = arith.constant 9984 : i32
        %dma_wait3A_85 = arith.constant 0 : i32
        %dma_wait3A_86 = tpu.memref_slice %arg2[%dma_wait3A_84, %dma_wait3A_85] : memref<10000x64xi32, #tpu.memory_space<hbm>> -> memref<16x64xi32, #tpu.memory_space<hbm>>
        tpu.wait_dma2 semaphore(%run_scoped3A : memref<!tpu.dma_semaphore, #tpu.memory_space<semaphore_mem>>) src(%dma_wait3A_86 : memref<16x64xi32, #tpu.memory_space<hbm>>) dst(%dma_wait3A_83 : memref<16x64xi32, #tpu.memory_space<vmem_shared>>)
        tpu.yield
      }) : () -> ()
    } else {
    }
    "tpu.region"() ({
      %run_scoped3A = tpu.sem_alloc : memref<!tpu.dma_semaphore, #tpu.memory_space<semaphore_mem>>
      %dma_start3A_76 = tpu.memref_slice %arg3[%mul3A_2] : memref<320000xi32, #tpu.memory_space<hbm>> -> memref<10000xi32, #tpu.memory_space<hbm>>
      %dma_start3A_77 = tpu.memref_slice %arg3[%mul3A_2] : memref<320000xi32, #tpu.memory_space<hbm>> -> memref<10000xi32, #tpu.memory_space<hbm>>
      tpu.enqueue_dma source(%dma_start3A_77 : memref<10000xi32, #tpu.memory_space<hbm>>) target(%arg6 : memref<10000xi32, #tpu.memory_space<vmem>>) target_semaphore(%run_scoped3A : memref<!tpu.dma_semaphore, #tpu.memory_space<semaphore_mem>>)
      %dma_wait3A = tpu.memref_slice %arg3[%mul3A_2] : memref<320000xi32, #tpu.memory_space<hbm>> -> memref<10000xi32, #tpu.memory_space<hbm>>
      %dma_wait3A_78 = tpu.memref_slice %arg3[%mul3A_2] : memref<320000xi32, #tpu.memory_space<hbm>> -> memref<10000xi32, #tpu.memory_space<hbm>>
      tpu.wait_dma2 semaphore(%run_scoped3A : memref<!tpu.dma_semaphore, #tpu.memory_space<semaphore_mem>>) src(%dma_wait3A_78 : memref<10000xi32, #tpu.memory_space<hbm>>) dst(%arg6 : memref<10000xi32, #tpu.memory_space<vmem>>)
      tpu.yield
    }) : () -> ()
    "tpu.region"() ({
      %run_scoped3A = tpu.sem_alloc : memref<!tpu.dma_semaphore, #tpu.memory_space<semaphore_mem>>
      %dma_start3A_76 = tpu.memref_slice %arg4[%mul3A_2] : memref<320000xi32, #tpu.memory_space<hbm>> -> memref<10000xi32, #tpu.memory_space<hbm>>
      %dma_start3A_77 = tpu.memref_slice %arg4[%mul3A_2] : memref<320000xi32, #tpu.memory_space<hbm>> -> memref<10000xi32, #tpu.memory_space<hbm>>
      tpu.enqueue_dma source(%dma_start3A_77 : memref<10000xi32, #tpu.memory_space<hbm>>) target(%arg7 : memref<10000xi32, #tpu.memory_space<vmem>>) target_semaphore(%run_scoped3A : memref<!tpu.dma_semaphore, #tpu.memory_space<semaphore_mem>>)
      %dma_wait3A = tpu.memref_slice %arg4[%mul3A_2] : memref<320000xi32, #tpu.memory_space<hbm>> -> memref<10000xi32, #tpu.memory_space<hbm>>
      %dma_wait3A_78 = tpu.memref_slice %arg4[%mul3A_2] : memref<320000xi32, #tpu.memory_space<hbm>> -> memref<10000xi32, #tpu.memory_space<hbm>>
      tpu.wait_dma2 semaphore(%run_scoped3A : memref<!tpu.dma_semaphore, #tpu.memory_space<semaphore_mem>>) src(%dma_wait3A_78 : memref<10000xi32, #tpu.memory_space<hbm>>) dst(%arg7 : memref<10000xi32, #tpu.memory_space<vmem>>)
      tpu.yield
    }) : () -> ()
    %barrier3A = arith.constant 0 : index
    tpu.barrier barrier_id(%barrier3A)
    %eq3A_9 = arith.constant 15 : i32
    %eq3A_10 = vector.broadcast %eq3A_9 : i32 to vector<16xi32>
    %eq3A_11 = arith.cmpi eq, %iota3A, %eq3A_10 : vector<16xi32>
    %dma_start3A = arith.constant 0 : i32
    %dma_start3A_12 = arith.constant 0 : i32
    %dma_start3A_13 = arith.constant 0 : i32
    %dma_start3A_14 = tpu.memref_slice %arg8[%dma_start3A, %dma_start3A_12, %dma_start3A_13] : memref<4x80x64xi32, #tpu.memory_space<vmem>> -> memref<1x80x64xi32, #tpu.memory_space<vmem>>
    %dma_start3A_15 = tpu.memref_squeeze %dma_start3A_14 : memref<1x80x64xi32, #tpu.memory_space<vmem>> -> memref<80x64xi32, #tpu.memory_space<vmem>>
    %dma_start3A_16 = arith.constant 0 : i32
    %dma_start3A_17 = tpu.memref_slice %arg6[%dma_start3A_16] : memref<10000xi32, #tpu.memory_space<vmem>> -> memref<80xi32, #tpu.memory_space<vmem>>
    %dma_start3A_18 = arith.constant 0 : i32
    %dma_start3A_19 = arith.constant 0 : i32
    %dma_start3A_20 = tpu.memref_slice %arg11[%dma_start3A_18, %dma_start3A_19] : memref<10000x64xi32, #tpu.memory_space<vmem_shared>> -> memref<10000x64xi32, #tpu.memory_space<vmem_shared>>
    tpu.enqueue_indirect_dma source(%dma_start3A_20 : memref<10000x64xi32, #tpu.memory_space<vmem_shared>>) target(%dma_start3A_15 : memref<80x64xi32, #tpu.memory_space<vmem>>) offsets(%dma_start3A_17 : memref<80xi32, #tpu.memory_space<vmem>>) semaphore(%arg12 : memref<!tpu.dma_semaphore, #tpu.memory_space<semaphore_mem>>)
    %dma_start3A_21 = arith.constant 0 : i32
    %dma_start3A_22 = arith.constant 0 : i32
    %dma_start3A_23 = arith.constant 0 : i32
    %dma_start3A_24 = tpu.memref_slice %arg9[%dma_start3A_21, %dma_start3A_22, %dma_start3A_23] : memref<4x80x64xi32, #tpu.memory_space<vmem>> -> memref<1x80x64xi32, #tpu.memory_space<vmem>>
    %dma_start3A_25 = tpu.memref_squeeze %dma_start3A_24 : memref<1x80x64xi32, #tpu.memory_space<vmem>> -> memref<80x64xi32, #tpu.memory_space<vmem>>
    %dma_start3A_26 = arith.constant 0 : i32
    %dma_start3A_27 = tpu.memref_slice %arg7[%dma_start3A_26] : memref<10000xi32, #tpu.memory_space<vmem>> -> memref<80xi32, #tpu.memory_space<vmem>>
    %dma_start3A_28 = arith.constant 0 : i32
    %dma_start3A_29 = arith.constant 0 : i32
    %dma_start3A_30 = tpu.memref_slice %arg11[%dma_start3A_28, %dma_start3A_29] : memref<10000x64xi32, #tpu.memory_space<vmem_shared>> -> memref<10000x64xi32, #tpu.memory_space<vmem_shared>>
    tpu.enqueue_indirect_dma source(%dma_start3A_30 : memref<10000x64xi32, #tpu.memory_space<vmem_shared>>) target(%dma_start3A_25 : memref<80x64xi32, #tpu.memory_space<vmem>>) offsets(%dma_start3A_27 : memref<80xi32, #tpu.memory_space<vmem>>) semaphore(%arg12 : memref<!tpu.dma_semaphore, #tpu.memory_space<semaphore_mem>>)
    %dma_start3A_31 = arith.constant 1 : i32
    %dma_start3A_32 = arith.constant 0 : i32
    %dma_start3A_33 = arith.constant 0 : i32
    %dma_start3A_34 = tpu.memref_slice %arg8[%dma_start3A_31, %dma_start3A_32, %dma_start3A_33] : memref<4x80x64xi32, #tpu.memory_space<vmem>> -> memref<1x80x64xi32, #tpu.memory_space<vmem>>
    %dma_start3A_35 = tpu.memref_squeeze %dma_start3A_34 : memref<1x80x64xi32, #tpu.memory_space<vmem>> -> memref<80x64xi32, #tpu.memory_space<vmem>>
    %dma_start3A_36 = arith.constant 80 : i32
    %dma_start3A_37 = tpu.memref_slice %arg6[%dma_start3A_36] : memref<10000xi32, #tpu.memory_space<vmem>> -> memref<80xi32, #tpu.memory_space<vmem>>
    %dma_start3A_38 = arith.constant 0 : i32
    %dma_start3A_39 = arith.constant 0 : i32
    %dma_start3A_40 = tpu.memref_slice %arg11[%dma_start3A_38, %dma_start3A_39] : memref<10000x64xi32, #tpu.memory_space<vmem_shared>> -> memref<10000x64xi32, #tpu.memory_space<vmem_shared>>
    tpu.enqueue_indirect_dma source(%dma_start3A_40 : memref<10000x64xi32, #tpu.memory_space<vmem_shared>>) target(%dma_start3A_35 : memref<80x64xi32, #tpu.memory_space<vmem>>) offsets(%dma_start3A_37 : memref<80xi32, #tpu.memory_space<vmem>>) semaphore(%arg13 : memref<!tpu.dma_semaphore, #tpu.memory_space<semaphore_mem>>)
    %dma_start3A_41 = arith.constant 1 : i32
    %dma_start3A_42 = arith.constant 0 : i32
    %dma_start3A_43 = arith.constant 0 : i32
    %dma_start3A_44 = tpu.memref_slice %arg9[%dma_start3A_41, %dma_start3A_42, %dma_start3A_43] : memref<4x80x64xi32, #tpu.memory_space<vmem>> -> memref<1x80x64xi32, #tpu.memory_space<vmem>>
    %dma_start3A_45 = tpu.memref_squeeze %dma_start3A_44 : memref<1x80x64xi32, #tpu.memory_space<vmem>> -> memref<80x64xi32, #tpu.memory_space<vmem>>
    %dma_start3A_46 = arith.constant 80 : i32
    %dma_start3A_47 = tpu.memref_slice %arg7[%dma_start3A_46] : memref<10000xi32, #tpu.memory_space<vmem>> -> memref<80xi32, #tpu.memory_space<vmem>>
    %dma_start3A_48 = arith.constant 0 : i32
    %dma_start3A_49 = arith.constant 0 : i32
    %dma_start3A_50 = tpu.memref_slice %arg11[%dma_start3A_48, %dma_start3A_49] : memref<10000x64xi32, #tpu.memory_space<vmem_shared>> -> memref<10000x64xi32, #tpu.memory_space<vmem_shared>>
    tpu.enqueue_indirect_dma source(%dma_start3A_50 : memref<10000x64xi32, #tpu.memory_space<vmem_shared>>) target(%dma_start3A_45 : memref<80x64xi32, #tpu.memory_space<vmem>>) offsets(%dma_start3A_47 : memref<80xi32, #tpu.memory_space<vmem>>) semaphore(%arg13 : memref<!tpu.dma_semaphore, #tpu.memory_space<semaphore_mem>>)
    %dma_start3A_51 = arith.constant 2 : i32
    %dma_start3A_52 = arith.constant 0 : i32
    %dma_start3A_53 = arith.constant 0 : i32
    %dma_start3A_54 = tpu.memref_slice %arg8[%dma_start3A_51, %dma_start3A_52, %dma_start3A_53] : memref<4x80x64xi32, #tpu.memory_space<vmem>> -> memref<1x80x64xi32, #tpu.memory_space<vmem>>
    %dma_start3A_55 = tpu.memref_squeeze %dma_start3A_54 : memref<1x80x64xi32, #tpu.memory_space<vmem>> -> memref<80x64xi32, #tpu.memory_space<vmem>>
    %dma_start3A_56 = arith.constant 160 : i32
    %dma_start3A_57 = tpu.memref_slice %arg6[%dma_start3A_56] : memref<10000xi32, #tpu.memory_space<vmem>> -> memref<80xi32, #tpu.memory_space<vmem>>
    %dma_start3A_58 = arith.constant 0 : i32
    %dma_start3A_59 = arith.constant 0 : i32
    %dma_start3A_60 = tpu.memref_slice %arg11[%dma_start3A_58, %dma_start3A_59] : memref<10000x64xi32, #tpu.memory_space<vmem_shared>> -> memref<10000x64xi32, #tpu.memory_space<vmem_shared>>
    tpu.enqueue_indirect_dma source(%dma_start3A_60 : memref<10000x64xi32, #tpu.memory_space<vmem_shared>>) target(%dma_start3A_55 : memref<80x64xi32, #tpu.memory_space<vmem>>) offsets(%dma_start3A_57 : memref<80xi32, #tpu.memory_space<vmem>>) semaphore(%arg14 : memref<!tpu.dma_semaphore, #tpu.memory_space<semaphore_mem>>)
    %dma_start3A_61 = arith.constant 2 : i32
    %dma_start3A_62 = arith.constant 0 : i32
    %dma_start3A_63 = arith.constant 0 : i32
    %dma_start3A_64 = tpu.memref_slice %arg9[%dma_start3A_61, %dma_start3A_62, %dma_start3A_63] : memref<4x80x64xi32, #tpu.memory_space<vmem>> -> memref<1x80x64xi32, #tpu.memory_space<vmem>>
    %dma_start3A_65 = tpu.memref_squeeze %dma_start3A_64 : memref<1x80x64xi32, #tpu.memory_space<vmem>> -> memref<80x64xi32, #tpu.memory_space<vmem>>
    %dma_start3A_66 = arith.constant 160 : i32
    %dma_start3A_67 = tpu.memref_slice %arg7[%dma_start3A_66] : memref<10000xi32, #tpu.memory_space<vmem>> -> memref<80xi32, #tpu.memory_space<vmem>>
    %dma_start3A_68 = arith.constant 0 : i32
    %dma_start3A_69 = arith.constant 0 : i32
    %dma_start3A_70 = tpu.memref_slice %arg11[%dma_start3A_68, %dma_start3A_69] : memref<10000x64xi32, #tpu.memory_space<vmem_shared>> -> memref<10000x64xi32, #tpu.memory_space<vmem_shared>>
    tpu.enqueue_indirect_dma source(%dma_start3A_70 : memref<10000x64xi32, #tpu.memory_space<vmem_shared>>) target(%dma_start3A_65 : memref<80x64xi32, #tpu.memory_space<vmem>>) offsets(%dma_start3A_67 : memref<80xi32, #tpu.memory_space<vmem>>) semaphore(%arg14 : memref<!tpu.dma_semaphore, #tpu.memory_space<semaphore_mem>>)
    %scan3A = arith.constant 0 : i32
    %scan3A_71 = arith.constant 0 : i32
    %scan3A_72 = arith.constant 32 : i32
    %scan3A_73 = arith.addi %scan3A_71, %scan3A_72 : i32
    %scan3A_74 = arith.constant 1 : i32
    scf.for %scan3A_76 = %scan3A_71 to %scan3A_73 step %scan3A_74  : i32 {
      %mul3A_77 = arith.constant 4 : i32
      %mul3A_78 = arith.muli %scan3A_76, %mul3A_77 : i32
      %add3A_79 = arith.constant 0 : i32
      %add3A_80 = arith.addi %mul3A_78, %add3A_79 : i32
      %lt3A = arith.constant 125 : i32
      %lt3A_81 = arith.cmpi slt, %add3A_80, %lt3A : i32
      %convert_element_type3A_82 = arith.extui %lt3A_81 : i1 to i32
      %cond3A_83 = arith.constant 0 : i32
      %cond3A_84 = arith.cmpi ne, %convert_element_type3A_82, %cond3A_83 : i32
      scf.if %cond3A_84 {
        %dma_wait3A = arith.constant 0 : i32
        %dma_wait3A_112 = arith.constant 0 : i32
        %dma_wait3A_113 = arith.constant 0 : i32
        %dma_wait3A_114 = tpu.memref_slice %arg8[%dma_wait3A, %dma_wait3A_112, %dma_wait3A_113] : memref<4x80x64xi32, #tpu.memory_space<vmem>> -> memref<1x80x64xi32, #tpu.memory_space<vmem>>
        %dma_wait3A_115 = tpu.memref_squeeze %dma_wait3A_114 : memref<1x80x64xi32, #tpu.memory_space<vmem>> -> memref<80x64xi32, #tpu.memory_space<vmem>>
        %dma_wait3A_116 = arith.constant 0 : i32
        %dma_wait3A_117 = tpu.memref_slice %arg6[%dma_wait3A_116] : memref<10000xi32, #tpu.memory_space<vmem>> -> memref<80xi32, #tpu.memory_space<vmem>>
        %dma_wait3A_118 = arith.constant 0 : i32
        %dma_wait3A_119 = arith.constant 0 : i32
        %dma_wait3A_120 = tpu.memref_slice %arg11[%dma_wait3A_118, %dma_wait3A_119] : memref<10000x64xi32, #tpu.memory_space<vmem_shared>> -> memref<10000x64xi32, #tpu.memory_space<vmem_shared>>
        tpu.wait_indirect_dma semaphore(%arg12 : memref<!tpu.dma_semaphore, #tpu.memory_space<semaphore_mem>>) src(%dma_wait3A_120 : memref<10000x64xi32, #tpu.memory_space<vmem_shared>>) dst(%dma_wait3A_115 : memref<80x64xi32, #tpu.memory_space<vmem>>)
        %dma_wait3A_121 = arith.constant 0 : i32
        %dma_wait3A_122 = arith.constant 0 : i32
        %dma_wait3A_123 = arith.constant 0 : i32
        %dma_wait3A_124 = tpu.memref_slice %arg9[%dma_wait3A_121, %dma_wait3A_122, %dma_wait3A_123] : memref<4x80x64xi32, #tpu.memory_space<vmem>> -> memref<1x80x64xi32, #tpu.memory_space<vmem>>
        %dma_wait3A_125 = tpu.memref_squeeze %dma_wait3A_124 : memref<1x80x64xi32, #tpu.memory_space<vmem>> -> memref<80x64xi32, #tpu.memory_space<vmem>>
        %dma_wait3A_126 = arith.constant 0 : i32
        %dma_wait3A_127 = tpu.memref_slice %arg7[%dma_wait3A_126] : memref<10000xi32, #tpu.memory_space<vmem>> -> memref<80xi32, #tpu.memory_space<vmem>>
        %dma_wait3A_128 = arith.constant 0 : i32
        %dma_wait3A_129 = arith.constant 0 : i32
        %dma_wait3A_130 = tpu.memref_slice %arg11[%dma_wait3A_128, %dma_wait3A_129] : memref<10000x64xi32, #tpu.memory_space<vmem_shared>> -> memref<10000x64xi32, #tpu.memory_space<vmem_shared>>
        tpu.wait_indirect_dma semaphore(%arg12 : memref<!tpu.dma_semaphore, #tpu.memory_space<semaphore_mem>>) src(%dma_wait3A_130 : memref<10000x64xi32, #tpu.memory_space<vmem_shared>>) dst(%dma_wait3A_125 : memref<80x64xi32, #tpu.memory_space<vmem>>)
        %add3A_131 = arith.constant 4 : i32
        %add3A_132 = arith.addi %add3A_80, %add3A_131 : i32
        %sub3A = arith.constant 1 : i32
        %sub3A_133 = arith.subi %add3A_132, %sub3A : i32
        %lt3A_134 = arith.constant 125 : i32
        %lt3A_135 = arith.cmpi slt, %sub3A_133, %lt3A_134 : i32
        %convert_element_type3A_136 = arith.extui %lt3A_135 : i1 to i32
        %cond3A_137 = arith.constant 0 : i32
        %cond3A_138 = arith.cmpi ne, %convert_element_type3A_136, %cond3A_137 : i32
        scf.if %cond3A_138 {
          %add3A_143 = arith.constant 4 : i32
          %add3A_144 = arith.addi %add3A_80, %add3A_143 : i32
          %sub3A_145 = arith.constant 1 : i32
          %sub3A_146 = arith.subi %add3A_144, %sub3A_145 : i32
          %mul3A_147 = arith.constant 80 : i32
          %mul3A_148 = arith.muli %sub3A_146, %mul3A_147 : i32
          %dma_start3A_149 = arith.constant 3 : i32
          %dma_start3A_150 = arith.constant 0 : i32
          %dma_start3A_151 = arith.constant 0 : i32
          %dma_start3A_152 = tpu.memref_slice %arg8[%dma_start3A_149, %dma_start3A_150, %dma_start3A_151] : memref<4x80x64xi32, #tpu.memory_space<vmem>> -> memref<1x80x64xi32, #tpu.memory_space<vmem>>
          %dma_start3A_153 = tpu.memref_squeeze %dma_start3A_152 : memref<1x80x64xi32, #tpu.memory_space<vmem>> -> memref<80x64xi32, #tpu.memory_space<vmem>>
          %dma_start3A_154 = tpu.memref_slice %arg6[%mul3A_148] : memref<10000xi32, #tpu.memory_space<vmem>> -> memref<80xi32, #tpu.memory_space<vmem>>
          %dma_start3A_155 = arith.constant 0 : i32
          %dma_start3A_156 = arith.constant 0 : i32
          %dma_start3A_157 = tpu.memref_slice %arg11[%dma_start3A_155, %dma_start3A_156] : memref<10000x64xi32, #tpu.memory_space<vmem_shared>> -> memref<10000x64xi32, #tpu.memory_space<vmem_shared>>
          tpu.enqueue_indirect_dma source(%dma_start3A_157 : memref<10000x64xi32, #tpu.memory_space<vmem_shared>>) target(%dma_start3A_153 : memref<80x64xi32, #tpu.memory_space<vmem>>) offsets(%dma_start3A_154 : memref<80xi32, #tpu.memory_space<vmem>>) semaphore(%arg15 : memref<!tpu.dma_semaphore, #tpu.memory_space<semaphore_mem>>)
          %dma_start3A_158 = arith.constant 3 : i32
          %dma_start3A_159 = arith.constant 0 : i32
          %dma_start3A_160 = arith.constant 0 : i32
          %dma_start3A_161 = tpu.memref_slice %arg9[%dma_start3A_158, %dma_start3A_159, %dma_start3A_160] : memref<4x80x64xi32, #tpu.memory_space<vmem>> -> memref<1x80x64xi32, #tpu.memory_space<vmem>>
          %dma_start3A_162 = tpu.memref_squeeze %dma_start3A_161 : memref<1x80x64xi32, #tpu.memory_space<vmem>> -> memref<80x64xi32, #tpu.memory_space<vmem>>
          %dma_start3A_163 = tpu.memref_slice %arg7[%mul3A_148] : memref<10000xi32, #tpu.memory_space<vmem>> -> memref<80xi32, #tpu.memory_space<vmem>>
          %dma_start3A_164 = arith.constant 0 : i32
          %dma_start3A_165 = arith.constant 0 : i32
          %dma_start3A_166 = tpu.memref_slice %arg11[%dma_start3A_164, %dma_start3A_165] : memref<10000x64xi32, #tpu.memory_space<vmem_shared>> -> memref<10000x64xi32, #tpu.memory_space<vmem_shared>>
          tpu.enqueue_indirect_dma source(%dma_start3A_166 : memref<10000x64xi32, #tpu.memory_space<vmem_shared>>) target(%dma_start3A_162 : memref<80x64xi32, #tpu.memory_space<vmem>>) offsets(%dma_start3A_163 : memref<80xi32, #tpu.memory_space<vmem>>) semaphore(%arg15 : memref<!tpu.dma_semaphore, #tpu.memory_space<semaphore_mem>>)
        } else {
        }
        %parallel_loop3A = arith.constant 0 : i32
        %parallel_loop3A_139 = arith.constant 80 : i32
        %parallel_loop3A_140 = arith.constant 1 : i32
        %parallel_loop3A_141 = arith.constant 0 : i32
        %parallel_loop3A_142 = arith.constant 0 : i32
        scf.for %parallel_loop3A_143 = %parallel_loop3A to %parallel_loop3A_139 step %parallel_loop3A_140  : i32 {
          %parallel_loop3A_144 = arith.constant 0 : i32
          %parallel_loop3A_145 = arith.constant 0 : i32
          %parallel_loop3A_146 = tpu.memref_slice %arg8[%parallel_loop3A_141, %parallel_loop3A_144, %parallel_loop3A_145] : memref<4x80x64xi32, #tpu.memory_space<vmem>> -> memref<1x80x64xi32, #tpu.memory_space<vmem>>
          %parallel_loop3A_147 = tpu.memref_squeeze %parallel_loop3A_146 : memref<1x80x64xi32, #tpu.memory_space<vmem>> -> memref<80x64xi32, #tpu.memory_space<vmem>>
          %parallel_loop3A_148 = arith.index_cast %parallel_loop3A_143 : i32 to index
          %parallel_loop3A_149 = arith.constant 0 : index
          %parallel_loop3A_150 = tpu.vector_load %parallel_loop3A_147[%parallel_loop3A_148, %parallel_loop3A_149] {strides = array<i32>} : memref<80x64xi32, #tpu.memory_space<vmem>>, vector<16xi32>,
          %parallel_loop3A_151 = vector.bitcast %parallel_loop3A_150 : vector<16xi32> to vector<32xbf16>
          %parallel_loop3A_152 = arith.constant 0 : i32
          %parallel_loop3A_153 = arith.constant 0 : i32
          %parallel_loop3A_154 = tpu.memref_slice %arg9[%parallel_loop3A_142, %parallel_loop3A_152, %parallel_loop3A_153] : memref<4x80x64xi32, #tpu.memory_space<vmem>> -> memref<1x80x64xi32, #tpu.memory_space<vmem>>
          %parallel_loop3A_155 = tpu.memref_squeeze %parallel_loop3A_154 : memref<1x80x64xi32, #tpu.memory_space<vmem>> -> memref<80x64xi32, #tpu.memory_space<vmem>>
          %parallel_loop3A_156 = arith.index_cast %parallel_loop3A_143 : i32 to index
          %parallel_loop3A_157 = arith.constant 0 : index
          %parallel_loop3A_158 = tpu.vector_load %parallel_loop3A_155[%parallel_loop3A_156, %parallel_loop3A_157] {strides = array<i32>} : memref<80x64xi32, #tpu.memory_space<vmem>>, vector<16xi32>,
          %parallel_loop3A_159 = vector.bitcast %parallel_loop3A_158 : vector<16xi32> to vector<32xbf16>
          %parallel_loop3A_160 = arith.mulf %parallel_loop3A_151, %parallel_loop3A_159 : vector<32xbf16>
          %parallel_loop3A_161 = arith.constant 0 : i32
          %parallel_loop3A_162 = arith.constant 0 : i32
          %parallel_loop3A_163 = tpu.memref_slice %arg8[%parallel_loop3A_141, %parallel_loop3A_161, %parallel_loop3A_162] : memref<4x80x64xi32, #tpu.memory_space<vmem>> -> memref<1x80x64xi32, #tpu.memory_space<vmem>>
          %parallel_loop3A_164 = tpu.memref_squeeze %parallel_loop3A_163 : memref<1x80x64xi32, #tpu.memory_space<vmem>> -> memref<80x64xi32, #tpu.memory_space<vmem>>
          %parallel_loop3A_165 = arith.index_cast %parallel_loop3A_143 : i32 to index
          %parallel_loop3A_166 = arith.constant 16 : index
          %parallel_loop3A_167 = tpu.vector_load %parallel_loop3A_164[%parallel_loop3A_165, %parallel_loop3A_166] {strides = array<i32>} : memref<80x64xi32, #tpu.memory_space<vmem>>, vector<16xi32>,
          %parallel_loop3A_168 = vector.bitcast %parallel_loop3A_167 : vector<16xi32> to vector<32xbf16>
          %parallel_loop3A_169 = arith.constant 0 : i32
          %parallel_loop3A_170 = arith.constant 0 : i32
          %parallel_loop3A_171 = tpu.memref_slice %arg9[%parallel_loop3A_142, %parallel_loop3A_169, %parallel_loop3A_170] : memref<4x80x64xi32, #tpu.memory_space<vmem>> -> memref<1x80x64xi32, #tpu.memory_space<vmem>>
          %parallel_loop3A_172 = tpu.memref_squeeze %parallel_loop3A_171 : memref<1x80x64xi32, #tpu.memory_space<vmem>> -> memref<80x64xi32, #tpu.memory_space<vmem>>
          %parallel_loop3A_173 = arith.index_cast %parallel_loop3A_143 : i32 to index
          %parallel_loop3A_174 = arith.constant 16 : index
          %parallel_loop3A_175 = tpu.vector_load %parallel_loop3A_172[%parallel_loop3A_173, %parallel_loop3A_174] {strides = array<i32>} : memref<80x64xi32, #tpu.memory_space<vmem>>, vector<16xi32>,
          %parallel_loop3A_176 = vector.bitcast %parallel_loop3A_175 : vector<16xi32> to vector<32xbf16>
          %parallel_loop3A_177 = arith.mulf %parallel_loop3A_168, %parallel_loop3A_176 : vector<32xbf16>
          %parallel_loop3A_178 = arith.constant 0 : i32
          %parallel_loop3A_179 = arith.constant 0 : i32
          %parallel_loop3A_180 = tpu.memref_slice %arg8[%parallel_loop3A_141, %parallel_loop3A_178, %parallel_loop3A_179] : memref<4x80x64xi32, #tpu.memory_space<vmem>> -> memref<1x80x64xi32, #tpu.memory_space<vmem>>
          %parallel_loop3A_181 = tpu.memref_squeeze %parallel_loop3A_180 : memref<1x80x64xi32, #tpu.memory_space<vmem>> -> memref<80x64xi32, #tpu.memory_space<vmem>>
          %parallel_loop3A_182 = arith.index_cast %parallel_loop3A_143 : i32 to index
          %parallel_loop3A_183 = arith.constant 32 : index
          %parallel_loop3A_184 = tpu.vector_load %parallel_loop3A_181[%parallel_loop3A_182, %parallel_loop3A_183] {strides = array<i32>} : memref<80x64xi32, #tpu.memory_space<vmem>>, vector<16xi32>,
          %parallel_loop3A_185 = vector.bitcast %parallel_loop3A_184 : vector<16xi32> to vector<32xbf16>
          %parallel_loop3A_186 = arith.constant 0 : i32
          %parallel_loop3A_187 = arith.constant 0 : i32
          %parallel_loop3A_188 = tpu.memref_slice %arg9[%parallel_loop3A_142, %parallel_loop3A_186, %parallel_loop3A_187] : memref<4x80x64xi32, #tpu.memory_space<vmem>> -> memref<1x80x64xi32, #tpu.memory_space<vmem>>
          %parallel_loop3A_189 = tpu.memref_squeeze %parallel_loop3A_188 : memref<1x80x64xi32, #tpu.memory_space<vmem>> -> memref<80x64xi32, #tpu.memory_space<vmem>>
          %parallel_loop3A_190 = arith.index_cast %parallel_loop3A_143 : i32 to index
          %parallel_loop3A_191 = arith.constant 32 : index
          %parallel_loop3A_192 = tpu.vector_load %parallel_loop3A_189[%parallel_loop3A_190, %parallel_loop3A_191] {strides = array<i32>} : memref<80x64xi32, #tpu.memory_space<vmem>>, vector<16xi32>,
          %parallel_loop3A_193 = vector.bitcast %parallel_loop3A_192 : vector<16xi32> to vector<32xbf16>
          %parallel_loop3A_194 = arith.mulf %parallel_loop3A_185, %parallel_loop3A_193 : vector<32xbf16>
          %parallel_loop3A_195 = arith.constant 0 : i32
          %parallel_loop3A_196 = arith.constant 0 : i32
          %parallel_loop3A_197 = tpu.memref_slice %arg8[%parallel_loop3A_141, %parallel_loop3A_195, %parallel_loop3A_196] : memref<4x80x64xi32, #tpu.memory_space<vmem>> -> memref<1x80x64xi32, #tpu.memory_space<vmem>>
          %parallel_loop3A_198 = tpu.memref_squeeze %parallel_loop3A_197 : memref<1x80x64xi32, #tpu.memory_space<vmem>> -> memref<80x64xi32, #tpu.memory_space<vmem>>
          %parallel_loop3A_199 = arith.index_cast %parallel_loop3A_143 : i32 to index
          %parallel_loop3A_200 = arith.constant 48 : index
          %parallel_loop3A_201 = tpu.vector_load %parallel_loop3A_198[%parallel_loop3A_199, %parallel_loop3A_200] {strides = array<i32>} : memref<80x64xi32, #tpu.memory_space<vmem>>, vector<16xi32>,
          %parallel_loop3A_202 = vector.bitcast %parallel_loop3A_201 : vector<16xi32> to vector<32xbf16>
          %parallel_loop3A_203 = arith.constant 0 : i32
          %parallel_loop3A_204 = arith.constant 0 : i32
          %parallel_loop3A_205 = tpu.memref_slice %arg9[%parallel_loop3A_142, %parallel_loop3A_203, %parallel_loop3A_204] : memref<4x80x64xi32, #tpu.memory_space<vmem>> -> memref<1x80x64xi32, #tpu.memory_space<vmem>>
          %parallel_loop3A_206 = tpu.memref_squeeze %parallel_loop3A_205 : memref<1x80x64xi32, #tpu.memory_space<vmem>> -> memref<80x64xi32, #tpu.memory_space<vmem>>
          %parallel_loop3A_207 = arith.index_cast %parallel_loop3A_143 : i32 to index
          %parallel_loop3A_208 = arith.constant 48 : index
          %parallel_loop3A_209 = tpu.vector_load %parallel_loop3A_206[%parallel_loop3A_207, %parallel_loop3A_208] {strides = array<i32>} : memref<80x64xi32, #tpu.memory_space<vmem>>, vector<16xi32>,
          %parallel_loop3A_210 = vector.bitcast %parallel_loop3A_209 : vector<16xi32> to vector<32xbf16>
          %parallel_loop3A_211 = arith.mulf %parallel_loop3A_202, %parallel_loop3A_210 : vector<32xbf16>
          %parallel_loop3A_212 = arith.addf %parallel_loop3A_160, %parallel_loop3A_177 : vector<32xbf16>
          %parallel_loop3A_213 = arith.addf %parallel_loop3A_194, %parallel_loop3A_211 : vector<32xbf16>
          %parallel_loop3A_214 = arith.addf %parallel_loop3A_212, %parallel_loop3A_213 : vector<32xbf16>
          %parallel_loop3A_215 = tpu.unpack_subelements %parallel_loop3A_214, 0 {pack_format = #tpu.pack_format<interleaved>} : vector<32xbf16> -> vector<16xf32>
          %parallel_loop3A_216 = tpu.unpack_subelements %parallel_loop3A_214, 1 {pack_format = #tpu.pack_format<interleaved>} : vector<32xbf16> -> vector<16xf32>
          %parallel_loop3A_217 = arith.addf %parallel_loop3A_215, %parallel_loop3A_216 : vector<16xf32>
          %parallel_loop3A_218 = arith.constant true
          %parallel_loop3A_219 = vector.broadcast %parallel_loop3A_218 : i1 to vector<16xi1>
          %parallel_loop3A_220 = tpu.scan <sum>, %parallel_loop3A_217 masked %parallel_loop3A_219 : vector<16xf32>, vector<16xi1> -> vector<16xf32>
          %parallel_loop3A_221 = arith.constant 0.000000e+00 : f32
          %parallel_loop3A_222 = vector.broadcast %parallel_loop3A_221 : f32 to vector<16xf32>
          %parallel_loop3A_223 = arith.subf %parallel_loop3A_222, %parallel_loop3A_220 : vector<16xf32>
          %parallel_loop3A_224 = math.exp %parallel_loop3A_223 : vector<16xf32>
          %parallel_loop3A_225 = arith.constant 1.000000e+00 : f32
          %parallel_loop3A_226 = vector.broadcast %parallel_loop3A_225 : f32 to vector<16xf32>
          %parallel_loop3A_227 = arith.addf %parallel_loop3A_226, %parallel_loop3A_224 : vector<16xf32>
          %parallel_loop3A_228 = arith.constant 1.000000e+00 : f32
          %parallel_loop3A_229 = vector.broadcast %parallel_loop3A_228 : f32 to vector<16xf32>
          %parallel_loop3A_230 = arith.divf %parallel_loop3A_229, %parallel_loop3A_227 : vector<16xf32>
          %parallel_loop3A_231 = arith.constant 80 : i32
          %parallel_loop3A_232 = arith.muli %add3A_80, %parallel_loop3A_231 : i32
          %parallel_loop3A_233 = arith.addi %parallel_loop3A_232, %parallel_loop3A_143 : i32
          %parallel_loop3A_234 = vector.broadcast %parallel_loop3A_233 : i32 to vector<16xi32>
          tpu.vector_store_idx %arg10[%parallel_loop3A_234], %parallel_loop3A_230 masked %eq3A_11 : memref<10000xf32, #tpu.memory_space<vmem>>[vector<16xi32>], vector<16xf32>, vector<16xi1>
        } {sc.loop_unroll_factor = 8 : i64, sc.parallel_access}
      } else {
      }
      %mul3A_85 = arith.constant 4 : i32
      %mul3A_86 = arith.muli %scan3A_76, %mul3A_85 : i32
      %add3A_87 = arith.constant 1 : i32
      %add3A_88 = arith.addi %mul3A_86, %add3A_87 : i32
      %lt3A_89 = arith.constant 125 : i32
      %lt3A_90 = arith.cmpi slt, %add3A_88, %lt3A_89 : i32
      %convert_element_type3A_91 = arith.extui %lt3A_90 : i1 to i32
      %cond3A_92 = arith.constant 0 : i32
      %cond3A_93 = arith.cmpi ne, %convert_element_type3A_91, %cond3A_92 : i32
      scf.if %cond3A_93 {
        %dma_wait3A = arith.constant 1 : i32
        %dma_wait3A_112 = arith.constant 0 : i32
        %dma_wait3A_113 = arith.constant 0 : i32
        %dma_wait3A_114 = tpu.memref_slice %arg8[%dma_wait3A, %dma_wait3A_112, %dma_wait3A_113] : memref<4x80x64xi32, #tpu.memory_space<vmem>> -> memref<1x80x64xi32, #tpu.memory_space<vmem>>
        %dma_wait3A_115 = tpu.memref_squeeze %dma_wait3A_114 : memref<1x80x64xi32, #tpu.memory_space<vmem>> -> memref<80x64xi32, #tpu.memory_space<vmem>>
        %dma_wait3A_116 = arith.constant 0 : i32
        %dma_wait3A_117 = tpu.memref_slice %arg6[%dma_wait3A_116] : memref<10000xi32, #tpu.memory_space<vmem>> -> memref<80xi32, #tpu.memory_space<vmem>>
        %dma_wait3A_118 = arith.constant 0 : i32
        %dma_wait3A_119 = arith.constant 0 : i32
        %dma_wait3A_120 = tpu.memref_slice %arg11[%dma_wait3A_118, %dma_wait3A_119] : memref<10000x64xi32, #tpu.memory_space<vmem_shared>> -> memref<10000x64xi32, #tpu.memory_space<vmem_shared>>
        tpu.wait_indirect_dma semaphore(%arg13 : memref<!tpu.dma_semaphore, #tpu.memory_space<semaphore_mem>>) src(%dma_wait3A_120 : memref<10000x64xi32, #tpu.memory_space<vmem_shared>>) dst(%dma_wait3A_115 : memref<80x64xi32, #tpu.memory_space<vmem>>)
        %dma_wait3A_121 = arith.constant 1 : i32
        %dma_wait3A_122 = arith.constant 0 : i32
        %dma_wait3A_123 = arith.constant 0 : i32
        %dma_wait3A_124 = tpu.memref_slice %arg9[%dma_wait3A_121, %dma_wait3A_122, %dma_wait3A_123] : memref<4x80x64xi32, #tpu.memory_space<vmem>> -> memref<1x80x64xi32, #tpu.memory_space<vmem>>
        %dma_wait3A_125 = tpu.memref_squeeze %dma_wait3A_124 : memref<1x80x64xi32, #tpu.memory_space<vmem>> -> memref<80x64xi32, #tpu.memory_space<vmem>>
        %dma_wait3A_126 = arith.constant 0 : i32
        %dma_wait3A_127 = tpu.memref_slice %arg7[%dma_wait3A_126] : memref<10000xi32, #tpu.memory_space<vmem>> -> memref<80xi32, #tpu.memory_space<vmem>>
        %dma_wait3A_128 = arith.constant 0 : i32
        %dma_wait3A_129 = arith.constant 0 : i32
        %dma_wait3A_130 = tpu.memref_slice %arg11[%dma_wait3A_128, %dma_wait3A_129] : memref<10000x64xi32, #tpu.memory_space<vmem_shared>> -> memref<10000x64xi32, #tpu.memory_space<vmem_shared>>
        tpu.wait_indirect_dma semaphore(%arg13 : memref<!tpu.dma_semaphore, #tpu.memory_space<semaphore_mem>>) src(%dma_wait3A_130 : memref<10000x64xi32, #tpu.memory_space<vmem_shared>>) dst(%dma_wait3A_125 : memref<80x64xi32, #tpu.memory_space<vmem>>)
        %add3A_131 = arith.constant 4 : i32
        %add3A_132 = arith.addi %add3A_88, %add3A_131 : i32
        %sub3A = arith.constant 1 : i32
        %sub3A_133 = arith.subi %add3A_132, %sub3A : i32
        %lt3A_134 = arith.constant 125 : i32
        %lt3A_135 = arith.cmpi slt, %sub3A_133, %lt3A_134 : i32
        %convert_element_type3A_136 = arith.extui %lt3A_135 : i1 to i32
        %cond3A_137 = arith.constant 0 : i32
        %cond3A_138 = arith.cmpi ne, %convert_element_type3A_136, %cond3A_137 : i32
        scf.if %cond3A_138 {
          %add3A_143 = arith.constant 4 : i32
          %add3A_144 = arith.addi %add3A_88, %add3A_143 : i32
          %sub3A_145 = arith.constant 1 : i32
          %sub3A_146 = arith.subi %add3A_144, %sub3A_145 : i32
          %mul3A_147 = arith.constant 80 : i32
          %mul3A_148 = arith.muli %sub3A_146, %mul3A_147 : i32
          %dma_start3A_149 = arith.constant 0 : i32
          %dma_start3A_150 = arith.constant 0 : i32
          %dma_start3A_151 = arith.constant 0 : i32
          %dma_start3A_152 = tpu.memref_slice %arg8[%dma_start3A_149, %dma_start3A_150, %dma_start3A_151] : memref<4x80x64xi32, #tpu.memory_space<vmem>> -> memref<1x80x64xi32, #tpu.memory_space<vmem>>
          %dma_start3A_153 = tpu.memref_squeeze %dma_start3A_152 : memref<1x80x64xi32, #tpu.memory_space<vmem>> -> memref<80x64xi32, #tpu.memory_space<vmem>>
          %dma_start3A_154 = tpu.memref_slice %arg6[%mul3A_148] : memref<10000xi32, #tpu.memory_space<vmem>> -> memref<80xi32, #tpu.memory_space<vmem>>
          %dma_start3A_155 = arith.constant 0 : i32
          %dma_start3A_156 = arith.constant 0 : i32
          %dma_start3A_157 = tpu.memref_slice %arg11[%dma_start3A_155, %dma_start3A_156] : memref<10000x64xi32, #tpu.memory_space<vmem_shared>> -> memref<10000x64xi32, #tpu.memory_space<vmem_shared>>
          tpu.enqueue_indirect_dma source(%dma_start3A_157 : memref<10000x64xi32, #tpu.memory_space<vmem_shared>>) target(%dma_start3A_153 : memref<80x64xi32, #tpu.memory_space<vmem>>) offsets(%dma_start3A_154 : memref<80xi32, #tpu.memory_space<vmem>>) semaphore(%arg12 : memref<!tpu.dma_semaphore, #tpu.memory_space<semaphore_mem>>)
          %dma_start3A_158 = arith.constant 0 : i32
          %dma_start3A_159 = arith.constant 0 : i32
          %dma_start3A_160 = arith.constant 0 : i32
          %dma_start3A_161 = tpu.memref_slice %arg9[%dma_start3A_158, %dma_start3A_159, %dma_start3A_160] : memref<4x80x64xi32, #tpu.memory_space<vmem>> -> memref<1x80x64xi32, #tpu.memory_space<vmem>>
          %dma_start3A_162 = tpu.memref_squeeze %dma_start3A_161 : memref<1x80x64xi32, #tpu.memory_space<vmem>> -> memref<80x64xi32, #tpu.memory_space<vmem>>
          %dma_start3A_163 = tpu.memref_slice %arg7[%mul3A_148] : memref<10000xi32, #tpu.memory_space<vmem>> -> memref<80xi32, #tpu.memory_space<vmem>>
          %dma_start3A_164 = arith.constant 0 : i32
          %dma_start3A_165 = arith.constant 0 : i32
          %dma_start3A_166 = tpu.memref_slice %arg11[%dma_start3A_164, %dma_start3A_165] : memref<10000x64xi32, #tpu.memory_space<vmem_shared>> -> memref<10000x64xi32, #tpu.memory_space<vmem_shared>>
          tpu.enqueue_indirect_dma source(%dma_start3A_166 : memref<10000x64xi32, #tpu.memory_space<vmem_shared>>) target(%dma_start3A_162 : memref<80x64xi32, #tpu.memory_space<vmem>>) offsets(%dma_start3A_163 : memref<80xi32, #tpu.memory_space<vmem>>) semaphore(%arg12 : memref<!tpu.dma_semaphore, #tpu.memory_space<semaphore_mem>>)
        } else {
        }
        %parallel_loop3A = arith.constant 0 : i32
        %parallel_loop3A_139 = arith.constant 80 : i32
        %parallel_loop3A_140 = arith.constant 1 : i32
        %parallel_loop3A_141 = arith.constant 1 : i32
        %parallel_loop3A_142 = arith.constant 1 : i32
        scf.for %parallel_loop3A_143 = %parallel_loop3A to %parallel_loop3A_139 step %parallel_loop3A_140  : i32 {
          %parallel_loop3A_144 = arith.constant 0 : i32
          %parallel_loop3A_145 = arith.constant 0 : i32
          %parallel_loop3A_146 = tpu.memref_slice %arg8[%parallel_loop3A_141, %parallel_loop3A_144, %parallel_loop3A_145] : memref<4x80x64xi32, #tpu.memory_space<vmem>> -> memref<1x80x64xi32, #tpu.memory_space<vmem>>
          %parallel_loop3A_147 = tpu.memref_squeeze %parallel_loop3A_146 : memref<1x80x64xi32, #tpu.memory_space<vmem>> -> memref<80x64xi32, #tpu.memory_space<vmem>>
          %parallel_loop3A_148 = arith.index_cast %parallel_loop3A_143 : i32 to index
          %parallel_loop3A_149 = arith.constant 0 : index
          %parallel_loop3A_150 = tpu.vector_load %parallel_loop3A_147[%parallel_loop3A_148, %parallel_loop3A_149] {strides = array<i32>} : memref<80x64xi32, #tpu.memory_space<vmem>>, vector<16xi32>,
          %parallel_loop3A_151 = vector.bitcast %parallel_loop3A_150 : vector<16xi32> to vector<32xbf16>
          %parallel_loop3A_152 = arith.constant 0 : i32
          %parallel_loop3A_153 = arith.constant 0 : i32
          %parallel_loop3A_154 = tpu.memref_slice %arg9[%parallel_loop3A_142, %parallel_loop3A_152, %parallel_loop3A_153] : memref<4x80x64xi32, #tpu.memory_space<vmem>> -> memref<1x80x64xi32, #tpu.memory_space<vmem>>
          %parallel_loop3A_155 = tpu.memref_squeeze %parallel_loop3A_154 : memref<1x80x64xi32, #tpu.memory_space<vmem>> -> memref<80x64xi32, #tpu.memory_space<vmem>>
          %parallel_loop3A_156 = arith.index_cast %parallel_loop3A_143 : i32 to index
          %parallel_loop3A_157 = arith.constant 0 : index
          %parallel_loop3A_158 = tpu.vector_load %parallel_loop3A_155[%parallel_loop3A_156, %parallel_loop3A_157] {strides = array<i32>} : memref<80x64xi32, #tpu.memory_space<vmem>>, vector<16xi32>,
          %parallel_loop3A_159 = vector.bitcast %parallel_loop3A_158 : vector<16xi32> to vector<32xbf16>
          %parallel_loop3A_160 = arith.mulf %parallel_loop3A_151, %parallel_loop3A_159 : vector<32xbf16>
          %parallel_loop3A_161 = arith.constant 0 : i32
          %parallel_loop3A_162 = arith.constant 0 : i32
          %parallel_loop3A_163 = tpu.memref_slice %arg8[%parallel_loop3A_141, %parallel_loop3A_161, %parallel_loop3A_162] : memref<4x80x64xi32, #tpu.memory_space<vmem>> -> memref<1x80x64xi32, #tpu.memory_space<vmem>>
          %parallel_loop3A_164 = tpu.memref_squeeze %parallel_loop3A_163 : memref<1x80x64xi32, #tpu.memory_space<vmem>> -> memref<80x64xi32, #tpu.memory_space<vmem>>
          %parallel_loop3A_165 = arith.index_cast %parallel_loop3A_143 : i32 to index
          %parallel_loop3A_166 = arith.constant 16 : index
          %parallel_loop3A_167 = tpu.vector_load %parallel_loop3A_164[%parallel_loop3A_165, %parallel_loop3A_166] {strides = array<i32>} : memref<80x64xi32, #tpu.memory_space<vmem>>, vector<16xi32>,
          %parallel_loop3A_168 = vector.bitcast %parallel_loop3A_167 : vector<16xi32> to vector<32xbf16>
          %parallel_loop3A_169 = arith.constant 0 : i32
          %parallel_loop3A_170 = arith.constant 0 : i32
          %parallel_loop3A_171 = tpu.memref_slice %arg9[%parallel_loop3A_142, %parallel_loop3A_169, %parallel_loop3A_170] : memref<4x80x64xi32, #tpu.memory_space<vmem>> -> memref<1x80x64xi32, #tpu.memory_space<vmem>>
          %parallel_loop3A_172 = tpu.memref_squeeze %parallel_loop3A_171 : memref<1x80x64xi32, #tpu.memory_space<vmem>> -> memref<80x64xi32, #tpu.memory_space<vmem>>
          %parallel_loop3A_173 = arith.index_cast %parallel_loop3A_143 : i32 to index
          %parallel_loop3A_174 = arith.constant 16 : index
          %parallel_loop3A_175 = tpu.vector_load %parallel_loop3A_172[%parallel_loop3A_173, %parallel_loop3A_174] {strides = array<i32>} : memref<80x64xi32, #tpu.memory_space<vmem>>, vector<16xi32>,
          %parallel_loop3A_176 = vector.bitcast %parallel_loop3A_175 : vector<16xi32> to vector<32xbf16>
          %parallel_loop3A_177 = arith.mulf %parallel_loop3A_168, %parallel_loop3A_176 : vector<32xbf16>
          %parallel_loop3A_178 = arith.constant 0 : i32
          %parallel_loop3A_179 = arith.constant 0 : i32
          %parallel_loop3A_180 = tpu.memref_slice %arg8[%parallel_loop3A_141, %parallel_loop3A_178, %parallel_loop3A_179] : memref<4x80x64xi32, #tpu.memory_space<vmem>> -> memref<1x80x64xi32, #tpu.memory_space<vmem>>
          %parallel_loop3A_181 = tpu.memref_squeeze %parallel_loop3A_180 : memref<1x80x64xi32, #tpu.memory_space<vmem>> -> memref<80x64xi32, #tpu.memory_space<vmem>>
          %parallel_loop3A_182 = arith.index_cast %parallel_loop3A_143 : i32 to index
          %parallel_loop3A_183 = arith.constant 32 : index
          %parallel_loop3A_184 = tpu.vector_load %parallel_loop3A_181[%parallel_loop3A_182, %parallel_loop3A_183] {strides = array<i32>} : memref<80x64xi32, #tpu.memory_space<vmem>>, vector<16xi32>,
          %parallel_loop3A_185 = vector.bitcast %parallel_loop3A_184 : vector<16xi32> to vector<32xbf16>
          %parallel_loop3A_186 = arith.constant 0 : i32
          %parallel_loop3A_187 = arith.constant 0 : i32
          %parallel_loop3A_188 = tpu.memref_slice %arg9[%parallel_loop3A_142, %parallel_loop3A_186, %parallel_loop3A_187] : memref<4x80x64xi32, #tpu.memory_space<vmem>> -> memref<1x80x64xi32, #tpu.memory_space<vmem>>
          %parallel_loop3A_189 = tpu.memref_squeeze %parallel_loop3A_188 : memref<1x80x64xi32, #tpu.memory_space<vmem>> -> memref<80x64xi32, #tpu.memory_space<vmem>>
          %parallel_loop3A_190 = arith.index_cast %parallel_loop3A_143 : i32 to index
          %parallel_loop3A_191 = arith.constant 32 : index
          %parallel_loop3A_192 = tpu.vector_load %parallel_loop3A_189[%parallel_loop3A_190, %parallel_loop3A_191] {strides = array<i32>} : memref<80x64xi32, #tpu.memory_space<vmem>>, vector<16xi32>,
          %parallel_loop3A_193 = vector.bitcast %parallel_loop3A_192 : vector<16xi32> to vector<32xbf16>
          %parallel_loop3A_194 = arith.mulf %parallel_loop3A_185, %parallel_loop3A_193 : vector<32xbf16>
          %parallel_loop3A_195 = arith.constant 0 : i32
          %parallel_loop3A_196 = arith.constant 0 : i32
          %parallel_loop3A_197 = tpu.memref_slice %arg8[%parallel_loop3A_141, %parallel_loop3A_195, %parallel_loop3A_196] : memref<4x80x64xi32, #tpu.memory_space<vmem>> -> memref<1x80x64xi32, #tpu.memory_space<vmem>>
          %parallel_loop3A_198 = tpu.memref_squeeze %parallel_loop3A_197 : memref<1x80x64xi32, #tpu.memory_space<vmem>> -> memref<80x64xi32, #tpu.memory_space<vmem>>
          %parallel_loop3A_199 = arith.index_cast %parallel_loop3A_143 : i32 to index
          %parallel_loop3A_200 = arith.constant 48 : index
          %parallel_loop3A_201 = tpu.vector_load %parallel_loop3A_198[%parallel_loop3A_199, %parallel_loop3A_200] {strides = array<i32>} : memref<80x64xi32, #tpu.memory_space<vmem>>, vector<16xi32>,
          %parallel_loop3A_202 = vector.bitcast %parallel_loop3A_201 : vector<16xi32> to vector<32xbf16>
          %parallel_loop3A_203 = arith.constant 0 : i32
          %parallel_loop3A_204 = arith.constant 0 : i32
          %parallel_loop3A_205 = tpu.memref_slice %arg9[%parallel_loop3A_142, %parallel_loop3A_203, %parallel_loop3A_204] : memref<4x80x64xi32, #tpu.memory_space<vmem>> -> memref<1x80x64xi32, #tpu.memory_space<vmem>>
          %parallel_loop3A_206 = tpu.memref_squeeze %parallel_loop3A_205 : memref<1x80x64xi32, #tpu.memory_space<vmem>> -> memref<80x64xi32, #tpu.memory_space<vmem>>
          %parallel_loop3A_207 = arith.index_cast %parallel_loop3A_143 : i32 to index
          %parallel_loop3A_208 = arith.constant 48 : index
          %parallel_loop3A_209 = tpu.vector_load %parallel_loop3A_206[%parallel_loop3A_207, %parallel_loop3A_208] {strides = array<i32>} : memref<80x64xi32, #tpu.memory_space<vmem>>, vector<16xi32>,
          %parallel_loop3A_210 = vector.bitcast %parallel_loop3A_209 : vector<16xi32> to vector<32xbf16>
          %parallel_loop3A_211 = arith.mulf %parallel_loop3A_202, %parallel_loop3A_210 : vector<32xbf16>
          %parallel_loop3A_212 = arith.addf %parallel_loop3A_160, %parallel_loop3A_177 : vector<32xbf16>
          %parallel_loop3A_213 = arith.addf %parallel_loop3A_194, %parallel_loop3A_211 : vector<32xbf16>
          %parallel_loop3A_214 = arith.addf %parallel_loop3A_212, %parallel_loop3A_213 : vector<32xbf16>
          %parallel_loop3A_215 = tpu.unpack_subelements %parallel_loop3A_214, 0 {pack_format = #tpu.pack_format<interleaved>} : vector<32xbf16> -> vector<16xf32>
          %parallel_loop3A_216 = tpu.unpack_subelements %parallel_loop3A_214, 1 {pack_format = #tpu.pack_format<interleaved>} : vector<32xbf16> -> vector<16xf32>
          %parallel_loop3A_217 = arith.addf %parallel_loop3A_215, %parallel_loop3A_216 : vector<16xf32>
          %parallel_loop3A_218 = arith.constant true
          %parallel_loop3A_219 = vector.broadcast %parallel_loop3A_218 : i1 to vector<16xi1>
          %parallel_loop3A_220 = tpu.scan <sum>, %parallel_loop3A_217 masked %parallel_loop3A_219 : vector<16xf32>, vector<16xi1> -> vector<16xf32>
          %parallel_loop3A_221 = arith.constant 0.000000e+00 : f32
          %parallel_loop3A_222 = vector.broadcast %parallel_loop3A_221 : f32 to vector<16xf32>
          %parallel_loop3A_223 = arith.subf %parallel_loop3A_222, %parallel_loop3A_220 : vector<16xf32>
          %parallel_loop3A_224 = math.exp %parallel_loop3A_223 : vector<16xf32>
          %parallel_loop3A_225 = arith.constant 1.000000e+00 : f32
          %parallel_loop3A_226 = vector.broadcast %parallel_loop3A_225 : f32 to vector<16xf32>
          %parallel_loop3A_227 = arith.addf %parallel_loop3A_226, %parallel_loop3A_224 : vector<16xf32>
          %parallel_loop3A_228 = arith.constant 1.000000e+00 : f32
          %parallel_loop3A_229 = vector.broadcast %parallel_loop3A_228 : f32 to vector<16xf32>
          %parallel_loop3A_230 = arith.divf %parallel_loop3A_229, %parallel_loop3A_227 : vector<16xf32>
          %parallel_loop3A_231 = arith.constant 80 : i32
          %parallel_loop3A_232 = arith.muli %add3A_88, %parallel_loop3A_231 : i32
          %parallel_loop3A_233 = arith.addi %parallel_loop3A_232, %parallel_loop3A_143 : i32
          %parallel_loop3A_234 = vector.broadcast %parallel_loop3A_233 : i32 to vector<16xi32>
          tpu.vector_store_idx %arg10[%parallel_loop3A_234], %parallel_loop3A_230 masked %eq3A_11 : memref<10000xf32, #tpu.memory_space<vmem>>[vector<16xi32>], vector<16xf32>, vector<16xi1>
        } {sc.loop_unroll_factor = 8 : i64, sc.parallel_access}
      } else {
      }
      %mul3A_94 = arith.constant 4 : i32
      %mul3A_95 = arith.muli %scan3A_76, %mul3A_94 : i32
      %add3A_96 = arith.constant 2 : i32
      %add3A_97 = arith.addi %mul3A_95, %add3A_96 : i32
      %lt3A_98 = arith.constant 125 : i32
      %lt3A_99 = arith.cmpi slt, %add3A_97, %lt3A_98 : i32
      %convert_element_type3A_100 = arith.extui %lt3A_99 : i1 to i32
      %cond3A_101 = arith.constant 0 : i32
      %cond3A_102 = arith.cmpi ne, %convert_element_type3A_100, %cond3A_101 : i32
      scf.if %cond3A_102 {
        %dma_wait3A = arith.constant 2 : i32
        %dma_wait3A_112 = arith.constant 0 : i32
        %dma_wait3A_113 = arith.constant 0 : i32
        %dma_wait3A_114 = tpu.memref_slice %arg8[%dma_wait3A, %dma_wait3A_112, %dma_wait3A_113] : memref<4x80x64xi32, #tpu.memory_space<vmem>> -> memref<1x80x64xi32, #tpu.memory_space<vmem>>
        %dma_wait3A_115 = tpu.memref_squeeze %dma_wait3A_114 : memref<1x80x64xi32, #tpu.memory_space<vmem>> -> memref<80x64xi32, #tpu.memory_space<vmem>>
        %dma_wait3A_116 = arith.constant 0 : i32
        %dma_wait3A_117 = tpu.memref_slice %arg6[%dma_wait3A_116] : memref<10000xi32, #tpu.memory_space<vmem>> -> memref<80xi32, #tpu.memory_space<vmem>>
        %dma_wait3A_118 = arith.constant 0 : i32
        %dma_wait3A_119 = arith.constant 0 : i32
        %dma_wait3A_120 = tpu.memref_slice %arg11[%dma_wait3A_118, %dma_wait3A_119] : memref<10000x64xi32, #tpu.memory_space<vmem_shared>> -> memref<10000x64xi32, #tpu.memory_space<vmem_shared>>
        tpu.wait_indirect_dma semaphore(%arg14 : memref<!tpu.dma_semaphore, #tpu.memory_space<semaphore_mem>>) src(%dma_wait3A_120 : memref<10000x64xi32, #tpu.memory_space<vmem_shared>>) dst(%dma_wait3A_115 : memref<80x64xi32, #tpu.memory_space<vmem>>)
        %dma_wait3A_121 = arith.constant 2 : i32
        %dma_wait3A_122 = arith.constant 0 : i32
        %dma_wait3A_123 = arith.constant 0 : i32
        %dma_wait3A_124 = tpu.memref_slice %arg9[%dma_wait3A_121, %dma_wait3A_122, %dma_wait3A_123] : memref<4x80x64xi32, #tpu.memory_space<vmem>> -> memref<1x80x64xi32, #tpu.memory_space<vmem>>
        %dma_wait3A_125 = tpu.memref_squeeze %dma_wait3A_124 : memref<1x80x64xi32, #tpu.memory_space<vmem>> -> memref<80x64xi32, #tpu.memory_space<vmem>>
        %dma_wait3A_126 = arith.constant 0 : i32
        %dma_wait3A_127 = tpu.memref_slice %arg7[%dma_wait3A_126] : memref<10000xi32, #tpu.memory_space<vmem>> -> memref<80xi32, #tpu.memory_space<vmem>>
        %dma_wait3A_128 = arith.constant 0 : i32
        %dma_wait3A_129 = arith.constant 0 : i32
        %dma_wait3A_130 = tpu.memref_slice %arg11[%dma_wait3A_128, %dma_wait3A_129] : memref<10000x64xi32, #tpu.memory_space<vmem_shared>> -> memref<10000x64xi32, #tpu.memory_space<vmem_shared>>
        tpu.wait_indirect_dma semaphore(%arg14 : memref<!tpu.dma_semaphore, #tpu.memory_space<semaphore_mem>>) src(%dma_wait3A_130 : memref<10000x64xi32, #tpu.memory_space<vmem_shared>>) dst(%dma_wait3A_125 : memref<80x64xi32, #tpu.memory_space<vmem>>)
        %add3A_131 = arith.constant 4 : i32
        %add3A_132 = arith.addi %add3A_97, %add3A_131 : i32
        %sub3A = arith.constant 1 : i32
        %sub3A_133 = arith.subi %add3A_132, %sub3A : i32
        %lt3A_134 = arith.constant 125 : i32
        %lt3A_135 = arith.cmpi slt, %sub3A_133, %lt3A_134 : i32
        %convert_element_type3A_136 = arith.extui %lt3A_135 : i1 to i32
        %cond3A_137 = arith.constant 0 : i32
        %cond3A_138 = arith.cmpi ne, %convert_element_type3A_136, %cond3A_137 : i32
        scf.if %cond3A_138 {
          %add3A_143 = arith.constant 4 : i32
          %add3A_144 = arith.addi %add3A_97, %add3A_143 : i32
          %sub3A_145 = arith.constant 1 : i32
          %sub3A_146 = arith.subi %add3A_144, %sub3A_145 : i32
          %mul3A_147 = arith.constant 80 : i32
          %mul3A_148 = arith.muli %sub3A_146, %mul3A_147 : i32
          %dma_start3A_149 = arith.constant 1 : i32
          %dma_start3A_150 = arith.constant 0 : i32
          %dma_start3A_151 = arith.constant 0 : i32
          %dma_start3A_152 = tpu.memref_slice %arg8[%dma_start3A_149, %dma_start3A_150, %dma_start3A_151] : memref<4x80x64xi32, #tpu.memory_space<vmem>> -> memref<1x80x64xi32, #tpu.memory_space<vmem>>
          %dma_start3A_153 = tpu.memref_squeeze %dma_start3A_152 : memref<1x80x64xi32, #tpu.memory_space<vmem>> -> memref<80x64xi32, #tpu.memory_space<vmem>>
          %dma_start3A_154 = tpu.memref_slice %arg6[%mul3A_148] : memref<10000xi32, #tpu.memory_space<vmem>> -> memref<80xi32, #tpu.memory_space<vmem>>
          %dma_start3A_155 = arith.constant 0 : i32
          %dma_start3A_156 = arith.constant 0 : i32
          %dma_start3A_157 = tpu.memref_slice %arg11[%dma_start3A_155, %dma_start3A_156] : memref<10000x64xi32, #tpu.memory_space<vmem_shared>> -> memref<10000x64xi32, #tpu.memory_space<vmem_shared>>
          tpu.enqueue_indirect_dma source(%dma_start3A_157 : memref<10000x64xi32, #tpu.memory_space<vmem_shared>>) target(%dma_start3A_153 : memref<80x64xi32, #tpu.memory_space<vmem>>) offsets(%dma_start3A_154 : memref<80xi32, #tpu.memory_space<vmem>>) semaphore(%arg13 : memref<!tpu.dma_semaphore, #tpu.memory_space<semaphore_mem>>)
          %dma_start3A_158 = arith.constant 1 : i32
          %dma_start3A_159 = arith.constant 0 : i32
          %dma_start3A_160 = arith.constant 0 : i32
          %dma_start3A_161 = tpu.memref_slice %arg9[%dma_start3A_158, %dma_start3A_159, %dma_start3A_160] : memref<4x80x64xi32, #tpu.memory_space<vmem>> -> memref<1x80x64xi32, #tpu.memory_space<vmem>>
          %dma_start3A_162 = tpu.memref_squeeze %dma_start3A_161 : memref<1x80x64xi32, #tpu.memory_space<vmem>> -> memref<80x64xi32, #tpu.memory_space<vmem>>
          %dma_start3A_163 = tpu.memref_slice %arg7[%mul3A_148] : memref<10000xi32, #tpu.memory_space<vmem>> -> memref<80xi32, #tpu.memory_space<vmem>>
          %dma_start3A_164 = arith.constant 0 : i32
          %dma_start3A_165 = arith.constant 0 : i32
          %dma_start3A_166 = tpu.memref_slice %arg11[%dma_start3A_164, %dma_start3A_165] : memref<10000x64xi32, #tpu.memory_space<vmem_shared>> -> memref<10000x64xi32, #tpu.memory_space<vmem_shared>>
          tpu.enqueue_indirect_dma source(%dma_start3A_166 : memref<10000x64xi32, #tpu.memory_space<vmem_shared>>) target(%dma_start3A_162 : memref<80x64xi32, #tpu.memory_space<vmem>>) offsets(%dma_start3A_163 : memref<80xi32, #tpu.memory_space<vmem>>) semaphore(%arg13 : memref<!tpu.dma_semaphore, #tpu.memory_space<semaphore_mem>>)
        } else {
        }
        %parallel_loop3A = arith.constant 0 : i32
        %parallel_loop3A_139 = arith.constant 80 : i32
        %parallel_loop3A_140 = arith.constant 1 : i32
        %parallel_loop3A_141 = arith.constant 2 : i32
        %parallel_loop3A_142 = arith.constant 2 : i32
        scf.for %parallel_loop3A_143 = %parallel_loop3A to %parallel_loop3A_139 step %parallel_loop3A_140  : i32 {
          %parallel_loop3A_144 = arith.constant 0 : i32
          %parallel_loop3A_145 = arith.constant 0 : i32
          %parallel_loop3A_146 = tpu.memref_slice %arg8[%parallel_loop3A_141, %parallel_loop3A_144, %parallel_loop3A_145] : memref<4x80x64xi32, #tpu.memory_space<vmem>> -> memref<1x80x64xi32, #tpu.memory_space<vmem>>
          %parallel_loop3A_147 = tpu.memref_squeeze %parallel_loop3A_146 : memref<1x80x64xi32, #tpu.memory_space<vmem>> -> memref<80x64xi32, #tpu.memory_space<vmem>>
          %parallel_loop3A_148 = arith.index_cast %parallel_loop3A_143 : i32 to index
          %parallel_loop3A_149 = arith.constant 0 : index
          %parallel_loop3A_150 = tpu.vector_load %parallel_loop3A_147[%parallel_loop3A_148, %parallel_loop3A_149] {strides = array<i32>} : memref<80x64xi32, #tpu.memory_space<vmem>>, vector<16xi32>,
          %parallel_loop3A_151 = vector.bitcast %parallel_loop3A_150 : vector<16xi32> to vector<32xbf16>
          %parallel_loop3A_152 = arith.constant 0 : i32
          %parallel_loop3A_153 = arith.constant 0 : i32
          %parallel_loop3A_154 = tpu.memref_slice %arg9[%parallel_loop3A_142, %parallel_loop3A_152, %parallel_loop3A_153] : memref<4x80x64xi32, #tpu.memory_space<vmem>> -> memref<1x80x64xi32, #tpu.memory_space<vmem>>
          %parallel_loop3A_155 = tpu.memref_squeeze %parallel_loop3A_154 : memref<1x80x64xi32, #tpu.memory_space<vmem>> -> memref<80x64xi32, #tpu.memory_space<vmem>>
          %parallel_loop3A_156 = arith.index_cast %parallel_loop3A_143 : i32 to index
          %parallel_loop3A_157 = arith.constant 0 : index
          %parallel_loop3A_158 = tpu.vector_load %parallel_loop3A_155[%parallel_loop3A_156, %parallel_loop3A_157] {strides = array<i32>} : memref<80x64xi32, #tpu.memory_space<vmem>>, vector<16xi32>,
          %parallel_loop3A_159 = vector.bitcast %parallel_loop3A_158 : vector<16xi32> to vector<32xbf16>
          %parallel_loop3A_160 = arith.mulf %parallel_loop3A_151, %parallel_loop3A_159 : vector<32xbf16>
          %parallel_loop3A_161 = arith.constant 0 : i32
          %parallel_loop3A_162 = arith.constant 0 : i32
          %parallel_loop3A_163 = tpu.memref_slice %arg8[%parallel_loop3A_141, %parallel_loop3A_161, %parallel_loop3A_162] : memref<4x80x64xi32, #tpu.memory_space<vmem>> -> memref<1x80x64xi32, #tpu.memory_space<vmem>>
          %parallel_loop3A_164 = tpu.memref_squeeze %parallel_loop3A_163 : memref<1x80x64xi32, #tpu.memory_space<vmem>> -> memref<80x64xi32, #tpu.memory_space<vmem>>
          %parallel_loop3A_165 = arith.index_cast %parallel_loop3A_143 : i32 to index
          %parallel_loop3A_166 = arith.constant 16 : index
          %parallel_loop3A_167 = tpu.vector_load %parallel_loop3A_164[%parallel_loop3A_165, %parallel_loop3A_166] {strides = array<i32>} : memref<80x64xi32, #tpu.memory_space<vmem>>, vector<16xi32>,
          %parallel_loop3A_168 = vector.bitcast %parallel_loop3A_167 : vector<16xi32> to vector<32xbf16>
          %parallel_loop3A_169 = arith.constant 0 : i32
          %parallel_loop3A_170 = arith.constant 0 : i32
          %parallel_loop3A_171 = tpu.memref_slice %arg9[%parallel_loop3A_142, %parallel_loop3A_169, %parallel_loop3A_170] : memref<4x80x64xi32, #tpu.memory_space<vmem>> -> memref<1x80x64xi32, #tpu.memory_space<vmem>>
          %parallel_loop3A_172 = tpu.memref_squeeze %parallel_loop3A_171 : memref<1x80x64xi32, #tpu.memory_space<vmem>> -> memref<80x64xi32, #tpu.memory_space<vmem>>
          %parallel_loop3A_173 = arith.index_cast %parallel_loop3A_143 : i32 to index
          %parallel_loop3A_174 = arith.constant 16 : index
          %parallel_loop3A_175 = tpu.vector_load %parallel_loop3A_172[%parallel_loop3A_173, %parallel_loop3A_174] {strides = array<i32>} : memref<80x64xi32, #tpu.memory_space<vmem>>, vector<16xi32>,
          %parallel_loop3A_176 = vector.bitcast %parallel_loop3A_175 : vector<16xi32> to vector<32xbf16>
          %parallel_loop3A_177 = arith.mulf %parallel_loop3A_168, %parallel_loop3A_176 : vector<32xbf16>
          %parallel_loop3A_178 = arith.constant 0 : i32
          %parallel_loop3A_179 = arith.constant 0 : i32
          %parallel_loop3A_180 = tpu.memref_slice %arg8[%parallel_loop3A_141, %parallel_loop3A_178, %parallel_loop3A_179] : memref<4x80x64xi32, #tpu.memory_space<vmem>> -> memref<1x80x64xi32, #tpu.memory_space<vmem>>
          %parallel_loop3A_181 = tpu.memref_squeeze %parallel_loop3A_180 : memref<1x80x64xi32, #tpu.memory_space<vmem>> -> memref<80x64xi32, #tpu.memory_space<vmem>>
          %parallel_loop3A_182 = arith.index_cast %parallel_loop3A_143 : i32 to index
          %parallel_loop3A_183 = arith.constant 32 : index
          %parallel_loop3A_184 = tpu.vector_load %parallel_loop3A_181[%parallel_loop3A_182, %parallel_loop3A_183] {strides = array<i32>} : memref<80x64xi32, #tpu.memory_space<vmem>>, vector<16xi32>,
          %parallel_loop3A_185 = vector.bitcast %parallel_loop3A_184 : vector<16xi32> to vector<32xbf16>
          %parallel_loop3A_186 = arith.constant 0 : i32
          %parallel_loop3A_187 = arith.constant 0 : i32
          %parallel_loop3A_188 = tpu.memref_slice %arg9[%parallel_loop3A_142, %parallel_loop3A_186, %parallel_loop3A_187] : memref<4x80x64xi32, #tpu.memory_space<vmem>> -> memref<1x80x64xi32, #tpu.memory_space<vmem>>
          %parallel_loop3A_189 = tpu.memref_squeeze %parallel_loop3A_188 : memref<1x80x64xi32, #tpu.memory_space<vmem>> -> memref<80x64xi32, #tpu.memory_space<vmem>>
          %parallel_loop3A_190 = arith.index_cast %parallel_loop3A_143 : i32 to index
          %parallel_loop3A_191 = arith.constant 32 : index
          %parallel_loop3A_192 = tpu.vector_load %parallel_loop3A_189[%parallel_loop3A_190, %parallel_loop3A_191] {strides = array<i32>} : memref<80x64xi32, #tpu.memory_space<vmem>>, vector<16xi32>,
          %parallel_loop3A_193 = vector.bitcast %parallel_loop3A_192 : vector<16xi32> to vector<32xbf16>
          %parallel_loop3A_194 = arith.mulf %parallel_loop3A_185, %parallel_loop3A_193 : vector<32xbf16>
          %parallel_loop3A_195 = arith.constant 0 : i32
          %parallel_loop3A_196 = arith.constant 0 : i32
          %parallel_loop3A_197 = tpu.memref_slice %arg8[%parallel_loop3A_141, %parallel_loop3A_195, %parallel_loop3A_196] : memref<4x80x64xi32, #tpu.memory_space<vmem>> -> memref<1x80x64xi32, #tpu.memory_space<vmem>>
          %parallel_loop3A_198 = tpu.memref_squeeze %parallel_loop3A_197 : memref<1x80x64xi32, #tpu.memory_space<vmem>> -> memref<80x64xi32, #tpu.memory_space<vmem>>
          %parallel_loop3A_199 = arith.index_cast %parallel_loop3A_143 : i32 to index
          %parallel_loop3A_200 = arith.constant 48 : index
          %parallel_loop3A_201 = tpu.vector_load %parallel_loop3A_198[%parallel_loop3A_199, %parallel_loop3A_200] {strides = array<i32>} : memref<80x64xi32, #tpu.memory_space<vmem>>, vector<16xi32>,
          %parallel_loop3A_202 = vector.bitcast %parallel_loop3A_201 : vector<16xi32> to vector<32xbf16>
          %parallel_loop3A_203 = arith.constant 0 : i32
          %parallel_loop3A_204 = arith.constant 0 : i32
          %parallel_loop3A_205 = tpu.memref_slice %arg9[%parallel_loop3A_142, %parallel_loop3A_203, %parallel_loop3A_204] : memref<4x80x64xi32, #tpu.memory_space<vmem>> -> memref<1x80x64xi32, #tpu.memory_space<vmem>>
          %parallel_loop3A_206 = tpu.memref_squeeze %parallel_loop3A_205 : memref<1x80x64xi32, #tpu.memory_space<vmem>> -> memref<80x64xi32, #tpu.memory_space<vmem>>
          %parallel_loop3A_207 = arith.index_cast %parallel_loop3A_143 : i32 to index
          %parallel_loop3A_208 = arith.constant 48 : index
          %parallel_loop3A_209 = tpu.vector_load %parallel_loop3A_206[%parallel_loop3A_207, %parallel_loop3A_208] {strides = array<i32>} : memref<80x64xi32, #tpu.memory_space<vmem>>, vector<16xi32>,
          %parallel_loop3A_210 = vector.bitcast %parallel_loop3A_209 : vector<16xi32> to vector<32xbf16>
          %parallel_loop3A_211 = arith.mulf %parallel_loop3A_202, %parallel_loop3A_210 : vector<32xbf16>
          %parallel_loop3A_212 = arith.addf %parallel_loop3A_160, %parallel_loop3A_177 : vector<32xbf16>
          %parallel_loop3A_213 = arith.addf %parallel_loop3A_194, %parallel_loop3A_211 : vector<32xbf16>
          %parallel_loop3A_214 = arith.addf %parallel_loop3A_212, %parallel_loop3A_213 : vector<32xbf16>
          %parallel_loop3A_215 = tpu.unpack_subelements %parallel_loop3A_214, 0 {pack_format = #tpu.pack_format<interleaved>} : vector<32xbf16> -> vector<16xf32>
          %parallel_loop3A_216 = tpu.unpack_subelements %parallel_loop3A_214, 1 {pack_format = #tpu.pack_format<interleaved>} : vector<32xbf16> -> vector<16xf32>
          %parallel_loop3A_217 = arith.addf %parallel_loop3A_215, %parallel_loop3A_216 : vector<16xf32>
          %parallel_loop3A_218 = arith.constant true
          %parallel_loop3A_219 = vector.broadcast %parallel_loop3A_218 : i1 to vector<16xi1>
          %parallel_loop3A_220 = tpu.scan <sum>, %parallel_loop3A_217 masked %parallel_loop3A_219 : vector<16xf32>, vector<16xi1> -> vector<16xf32>
          %parallel_loop3A_221 = arith.constant 0.000000e+00 : f32
          %parallel_loop3A_222 = vector.broadcast %parallel_loop3A_221 : f32 to vector<16xf32>
          %parallel_loop3A_223 = arith.subf %parallel_loop3A_222, %parallel_loop3A_220 : vector<16xf32>
          %parallel_loop3A_224 = math.exp %parallel_loop3A_223 : vector<16xf32>
          %parallel_loop3A_225 = arith.constant 1.000000e+00 : f32
          %parallel_loop3A_226 = vector.broadcast %parallel_loop3A_225 : f32 to vector<16xf32>
          %parallel_loop3A_227 = arith.addf %parallel_loop3A_226, %parallel_loop3A_224 : vector<16xf32>
          %parallel_loop3A_228 = arith.constant 1.000000e+00 : f32
          %parallel_loop3A_229 = vector.broadcast %parallel_loop3A_228 : f32 to vector<16xf32>
          %parallel_loop3A_230 = arith.divf %parallel_loop3A_229, %parallel_loop3A_227 : vector<16xf32>
          %parallel_loop3A_231 = arith.constant 80 : i32
          %parallel_loop3A_232 = arith.muli %add3A_97, %parallel_loop3A_231 : i32
          %parallel_loop3A_233 = arith.addi %parallel_loop3A_232, %parallel_loop3A_143 : i32
          %parallel_loop3A_234 = vector.broadcast %parallel_loop3A_233 : i32 to vector<16xi32>
          tpu.vector_store_idx %arg10[%parallel_loop3A_234], %parallel_loop3A_230 masked %eq3A_11 : memref<10000xf32, #tpu.memory_space<vmem>>[vector<16xi32>], vector<16xf32>, vector<16xi1>
        } {sc.loop_unroll_factor = 8 : i64, sc.parallel_access}
      } else {
      }
      %mul3A_103 = arith.constant 4 : i32
      %mul3A_104 = arith.muli %scan3A_76, %mul3A_103 : i32
      %add3A_105 = arith.constant 3 : i32
      %add3A_106 = arith.addi %mul3A_104, %add3A_105 : i32
      %lt3A_107 = arith.constant 125 : i32
      %lt3A_108 = arith.cmpi slt, %add3A_106, %lt3A_107 : i32
      %convert_element_type3A_109 = arith.extui %lt3A_108 : i1 to i32
      %cond3A_110 = arith.constant 0 : i32
      %cond3A_111 = arith.cmpi ne, %convert_element_type3A_109, %cond3A_110 : i32
      scf.if %cond3A_111 {
        %dma_wait3A = arith.constant 3 : i32
        %dma_wait3A_112 = arith.constant 0 : i32
        %dma_wait3A_113 = arith.constant 0 : i32
        %dma_wait3A_114 = tpu.memref_slice %arg8[%dma_wait3A, %dma_wait3A_112, %dma_wait3A_113] : memref<4x80x64xi32, #tpu.memory_space<vmem>> -> memref<1x80x64xi32, #tpu.memory_space<vmem>>
        %dma_wait3A_115 = tpu.memref_squeeze %dma_wait3A_114 : memref<1x80x64xi32, #tpu.memory_space<vmem>> -> memref<80x64xi32, #tpu.memory_space<vmem>>
        %dma_wait3A_116 = arith.constant 0 : i32
        %dma_wait3A_117 = tpu.memref_slice %arg6[%dma_wait3A_116] : memref<10000xi32, #tpu.memory_space<vmem>> -> memref<80xi32, #tpu.memory_space<vmem>>
        %dma_wait3A_118 = arith.constant 0 : i32
        %dma_wait3A_119 = arith.constant 0 : i32
        %dma_wait3A_120 = tpu.memref_slice %arg11[%dma_wait3A_118, %dma_wait3A_119] : memref<10000x64xi32, #tpu.memory_space<vmem_shared>> -> memref<10000x64xi32, #tpu.memory_space<vmem_shared>>
        tpu.wait_indirect_dma semaphore(%arg15 : memref<!tpu.dma_semaphore, #tpu.memory_space<semaphore_mem>>) src(%dma_wait3A_120 : memref<10000x64xi32, #tpu.memory_space<vmem_shared>>) dst(%dma_wait3A_115 : memref<80x64xi32, #tpu.memory_space<vmem>>)
        %dma_wait3A_121 = arith.constant 3 : i32
        %dma_wait3A_122 = arith.constant 0 : i32
        %dma_wait3A_123 = arith.constant 0 : i32
        %dma_wait3A_124 = tpu.memref_slice %arg9[%dma_wait3A_121, %dma_wait3A_122, %dma_wait3A_123] : memref<4x80x64xi32, #tpu.memory_space<vmem>> -> memref<1x80x64xi32, #tpu.memory_space<vmem>>
        %dma_wait3A_125 = tpu.memref_squeeze %dma_wait3A_124 : memref<1x80x64xi32, #tpu.memory_space<vmem>> -> memref<80x64xi32, #tpu.memory_space<vmem>>
        %dma_wait3A_126 = arith.constant 0 : i32
        %dma_wait3A_127 = tpu.memref_slice %arg7[%dma_wait3A_126] : memref<10000xi32, #tpu.memory_space<vmem>> -> memref<80xi32, #tpu.memory_space<vmem>>
        %dma_wait3A_128 = arith.constant 0 : i32
        %dma_wait3A_129 = arith.constant 0 : i32
        %dma_wait3A_130 = tpu.memref_slice %arg11[%dma_wait3A_128, %dma_wait3A_129] : memref<10000x64xi32, #tpu.memory_space<vmem_shared>> -> memref<10000x64xi32, #tpu.memory_space<vmem_shared>>
        tpu.wait_indirect_dma semaphore(%arg15 : memref<!tpu.dma_semaphore, #tpu.memory_space<semaphore_mem>>) src(%dma_wait3A_130 : memref<10000x64xi32, #tpu.memory_space<vmem_shared>>) dst(%dma_wait3A_125 : memref<80x64xi32, #tpu.memory_space<vmem>>)
        %add3A_131 = arith.constant 4 : i32
        %add3A_132 = arith.addi %add3A_106, %add3A_131 : i32
        %sub3A = arith.constant 1 : i32
        %sub3A_133 = arith.subi %add3A_132, %sub3A : i32
        %lt3A_134 = arith.constant 125 : i32
        %lt3A_135 = arith.cmpi slt, %sub3A_133, %lt3A_134 : i32
        %convert_element_type3A_136 = arith.extui %lt3A_135 : i1 to i32
        %cond3A_137 = arith.constant 0 : i32
        %cond3A_138 = arith.cmpi ne, %convert_element_type3A_136, %cond3A_137 : i32
        scf.if %cond3A_138 {
          %add3A_143 = arith.constant 4 : i32
          %add3A_144 = arith.addi %add3A_106, %add3A_143 : i32
          %sub3A_145 = arith.constant 1 : i32
          %sub3A_146 = arith.subi %add3A_144, %sub3A_145 : i32
          %mul3A_147 = arith.constant 80 : i32
          %mul3A_148 = arith.muli %sub3A_146, %mul3A_147 : i32
          %dma_start3A_149 = arith.constant 2 : i32
          %dma_start3A_150 = arith.constant 0 : i32
          %dma_start3A_151 = arith.constant 0 : i32
          %dma_start3A_152 = tpu.memref_slice %arg8[%dma_start3A_149, %dma_start3A_150, %dma_start3A_151] : memref<4x80x64xi32, #tpu.memory_space<vmem>> -> memref<1x80x64xi32, #tpu.memory_space<vmem>>
          %dma_start3A_153 = tpu.memref_squeeze %dma_start3A_152 : memref<1x80x64xi32, #tpu.memory_space<vmem>> -> memref<80x64xi32, #tpu.memory_space<vmem>>
          %dma_start3A_154 = tpu.memref_slice %arg6[%mul3A_148] : memref<10000xi32, #tpu.memory_space<vmem>> -> memref<80xi32, #tpu.memory_space<vmem>>
          %dma_start3A_155 = arith.constant 0 : i32
          %dma_start3A_156 = arith.constant 0 : i32
          %dma_start3A_157 = tpu.memref_slice %arg11[%dma_start3A_155, %dma_start3A_156] : memref<10000x64xi32, #tpu.memory_space<vmem_shared>> -> memref<10000x64xi32, #tpu.memory_space<vmem_shared>>
          tpu.enqueue_indirect_dma source(%dma_start3A_157 : memref<10000x64xi32, #tpu.memory_space<vmem_shared>>) target(%dma_start3A_153 : memref<80x64xi32, #tpu.memory_space<vmem>>) offsets(%dma_start3A_154 : memref<80xi32, #tpu.memory_space<vmem>>) semaphore(%arg14 : memref<!tpu.dma_semaphore, #tpu.memory_space<semaphore_mem>>)
          %dma_start3A_158 = arith.constant 2 : i32
          %dma_start3A_159 = arith.constant 0 : i32
          %dma_start3A_160 = arith.constant 0 : i32
          %dma_start3A_161 = tpu.memref_slice %arg9[%dma_start3A_158, %dma_start3A_159, %dma_start3A_160] : memref<4x80x64xi32, #tpu.memory_space<vmem>> -> memref<1x80x64xi32, #tpu.memory_space<vmem>>
          %dma_start3A_162 = tpu.memref_squeeze %dma_start3A_161 : memref<1x80x64xi32, #tpu.memory_space<vmem>> -> memref<80x64xi32, #tpu.memory_space<vmem>>
          %dma_start3A_163 = tpu.memref_slice %arg7[%mul3A_148] : memref<10000xi32, #tpu.memory_space<vmem>> -> memref<80xi32, #tpu.memory_space<vmem>>
          %dma_start3A_164 = arith.constant 0 : i32
          %dma_start3A_165 = arith.constant 0 : i32
          %dma_start3A_166 = tpu.memref_slice %arg11[%dma_start3A_164, %dma_start3A_165] : memref<10000x64xi32, #tpu.memory_space<vmem_shared>> -> memref<10000x64xi32, #tpu.memory_space<vmem_shared>>
          tpu.enqueue_indirect_dma source(%dma_start3A_166 : memref<10000x64xi32, #tpu.memory_space<vmem_shared>>) target(%dma_start3A_162 : memref<80x64xi32, #tpu.memory_space<vmem>>) offsets(%dma_start3A_163 : memref<80xi32, #tpu.memory_space<vmem>>) semaphore(%arg14 : memref<!tpu.dma_semaphore, #tpu.memory_space<semaphore_mem>>)
        } else {
        }
        %parallel_loop3A = arith.constant 0 : i32
        %parallel_loop3A_139 = arith.constant 80 : i32
        %parallel_loop3A_140 = arith.constant 1 : i32
        %parallel_loop3A_141 = arith.constant 3 : i32
        %parallel_loop3A_142 = arith.constant 3 : i32
        scf.for %parallel_loop3A_143 = %parallel_loop3A to %parallel_loop3A_139 step %parallel_loop3A_140  : i32 {
          %parallel_loop3A_144 = arith.constant 0 : i32
          %parallel_loop3A_145 = arith.constant 0 : i32
          %parallel_loop3A_146 = tpu.memref_slice %arg8[%parallel_loop3A_141, %parallel_loop3A_144, %parallel_loop3A_145] : memref<4x80x64xi32, #tpu.memory_space<vmem>> -> memref<1x80x64xi32, #tpu.memory_space<vmem>>
          %parallel_loop3A_147 = tpu.memref_squeeze %parallel_loop3A_146 : memref<1x80x64xi32, #tpu.memory_space<vmem>> -> memref<80x64xi32, #tpu.memory_space<vmem>>
          %parallel_loop3A_148 = arith.index_cast %parallel_loop3A_143 : i32 to index
          %parallel_loop3A_149 = arith.constant 0 : index
          %parallel_loop3A_150 = tpu.vector_load %parallel_loop3A_147[%parallel_loop3A_148, %parallel_loop3A_149] {strides = array<i32>} : memref<80x64xi32, #tpu.memory_space<vmem>>, vector<16xi32>,
          %parallel_loop3A_151 = vector.bitcast %parallel_loop3A_150 : vector<16xi32> to vector<32xbf16>
          %parallel_loop3A_152 = arith.constant 0 : i32
          %parallel_loop3A_153 = arith.constant 0 : i32
          %parallel_loop3A_154 = tpu.memref_slice %arg9[%parallel_loop3A_142, %parallel_loop3A_152, %parallel_loop3A_153] : memref<4x80x64xi32, #tpu.memory_space<vmem>> -> memref<1x80x64xi32, #tpu.memory_space<vmem>>
          %parallel_loop3A_155 = tpu.memref_squeeze %parallel_loop3A_154 : memref<1x80x64xi32, #tpu.memory_space<vmem>> -> memref<80x64xi32, #tpu.memory_space<vmem>>
          %parallel_loop3A_156 = arith.index_cast %parallel_loop3A_143 : i32 to index
          %parallel_loop3A_157 = arith.constant 0 : index
          %parallel_loop3A_158 = tpu.vector_load %parallel_loop3A_155[%parallel_loop3A_156, %parallel_loop3A_157] {strides = array<i32>} : memref<80x64xi32, #tpu.memory_space<vmem>>, vector<16xi32>,
          %parallel_loop3A_159 = vector.bitcast %parallel_loop3A_158 : vector<16xi32> to vector<32xbf16>
          %parallel_loop3A_160 = arith.mulf %parallel_loop3A_151, %parallel_loop3A_159 : vector<32xbf16>
          %parallel_loop3A_161 = arith.constant 0 : i32
          %parallel_loop3A_162 = arith.constant 0 : i32
          %parallel_loop3A_163 = tpu.memref_slice %arg8[%parallel_loop3A_141, %parallel_loop3A_161, %parallel_loop3A_162] : memref<4x80x64xi32, #tpu.memory_space<vmem>> -> memref<1x80x64xi32, #tpu.memory_space<vmem>>
          %parallel_loop3A_164 = tpu.memref_squeeze %parallel_loop3A_163 : memref<1x80x64xi32, #tpu.memory_space<vmem>> -> memref<80x64xi32, #tpu.memory_space<vmem>>
          %parallel_loop3A_165 = arith.index_cast %parallel_loop3A_143 : i32 to index
          %parallel_loop3A_166 = arith.constant 16 : index
          %parallel_loop3A_167 = tpu.vector_load %parallel_loop3A_164[%parallel_loop3A_165, %parallel_loop3A_166] {strides = array<i32>} : memref<80x64xi32, #tpu.memory_space<vmem>>, vector<16xi32>,
          %parallel_loop3A_168 = vector.bitcast %parallel_loop3A_167 : vector<16xi32> to vector<32xbf16>
          %parallel_loop3A_169 = arith.constant 0 : i32
          %parallel_loop3A_170 = arith.constant 0 : i32
          %parallel_loop3A_171 = tpu.memref_slice %arg9[%parallel_loop3A_142, %parallel_loop3A_169, %parallel_loop3A_170] : memref<4x80x64xi32, #tpu.memory_space<vmem>> -> memref<1x80x64xi32, #tpu.memory_space<vmem>>
          %parallel_loop3A_172 = tpu.memref_squeeze %parallel_loop3A_171 : memref<1x80x64xi32, #tpu.memory_space<vmem>> -> memref<80x64xi32, #tpu.memory_space<vmem>>
          %parallel_loop3A_173 = arith.index_cast %parallel_loop3A_143 : i32 to index
          %parallel_loop3A_174 = arith.constant 16 : index
          %parallel_loop3A_175 = tpu.vector_load %parallel_loop3A_172[%parallel_loop3A_173, %parallel_loop3A_174] {strides = array<i32>} : memref<80x64xi32, #tpu.memory_space<vmem>>, vector<16xi32>,
          %parallel_loop3A_176 = vector.bitcast %parallel_loop3A_175 : vector<16xi32> to vector<32xbf16>
          %parallel_loop3A_177 = arith.mulf %parallel_loop3A_168, %parallel_loop3A_176 : vector<32xbf16>
          %parallel_loop3A_178 = arith.constant 0 : i32
          %parallel_loop3A_179 = arith.constant 0 : i32
          %parallel_loop3A_180 = tpu.memref_slice %arg8[%parallel_loop3A_141, %parallel_loop3A_178, %parallel_loop3A_179] : memref<4x80x64xi32, #tpu.memory_space<vmem>> -> memref<1x80x64xi32, #tpu.memory_space<vmem>>
          %parallel_loop3A_181 = tpu.memref_squeeze %parallel_loop3A_180 : memref<1x80x64xi32, #tpu.memory_space<vmem>> -> memref<80x64xi32, #tpu.memory_space<vmem>>
          %parallel_loop3A_182 = arith.index_cast %parallel_loop3A_143 : i32 to index
          %parallel_loop3A_183 = arith.constant 32 : index
          %parallel_loop3A_184 = tpu.vector_load %parallel_loop3A_181[%parallel_loop3A_182, %parallel_loop3A_183] {strides = array<i32>} : memref<80x64xi32, #tpu.memory_space<vmem>>, vector<16xi32>,
          %parallel_loop3A_185 = vector.bitcast %parallel_loop3A_184 : vector<16xi32> to vector<32xbf16>
          %parallel_loop3A_186 = arith.constant 0 : i32
          %parallel_loop3A_187 = arith.constant 0 : i32
          %parallel_loop3A_188 = tpu.memref_slice %arg9[%parallel_loop3A_142, %parallel_loop3A_186, %parallel_loop3A_187] : memref<4x80x64xi32, #tpu.memory_space<vmem>> -> memref<1x80x64xi32, #tpu.memory_space<vmem>>
          %parallel_loop3A_189 = tpu.memref_squeeze %parallel_loop3A_188 : memref<1x80x64xi32, #tpu.memory_space<vmem>> -> memref<80x64xi32, #tpu.memory_space<vmem>>
          %parallel_loop3A_190 = arith.index_cast %parallel_loop3A_143 : i32 to index
          %parallel_loop3A_191 = arith.constant 32 : index
          %parallel_loop3A_192 = tpu.vector_load %parallel_loop3A_189[%parallel_loop3A_190, %parallel_loop3A_191] {strides = array<i32>} : memref<80x64xi32, #tpu.memory_space<vmem>>, vector<16xi32>,
          %parallel_loop3A_193 = vector.bitcast %parallel_loop3A_192 : vector<16xi32> to vector<32xbf16>
          %parallel_loop3A_194 = arith.mulf %parallel_loop3A_185, %parallel_loop3A_193 : vector<32xbf16>
          %parallel_loop3A_195 = arith.constant 0 : i32
          %parallel_loop3A_196 = arith.constant 0 : i32
          %parallel_loop3A_197 = tpu.memref_slice %arg8[%parallel_loop3A_141, %parallel_loop3A_195, %parallel_loop3A_196] : memref<4x80x64xi32, #tpu.memory_space<vmem>> -> memref<1x80x64xi32, #tpu.memory_space<vmem>>
          %parallel_loop3A_198 = tpu.memref_squeeze %parallel_loop3A_197 : memref<1x80x64xi32, #tpu.memory_space<vmem>> -> memref<80x64xi32, #tpu.memory_space<vmem>>
          %parallel_loop3A_199 = arith.index_cast %parallel_loop3A_143 : i32 to index
          %parallel_loop3A_200 = arith.constant 48 : index
          %parallel_loop3A_201 = tpu.vector_load %parallel_loop3A_198[%parallel_loop3A_199, %parallel_loop3A_200] {strides = array<i32>} : memref<80x64xi32, #tpu.memory_space<vmem>>, vector<16xi32>,
          %parallel_loop3A_202 = vector.bitcast %parallel_loop3A_201 : vector<16xi32> to vector<32xbf16>
          %parallel_loop3A_203 = arith.constant 0 : i32
          %parallel_loop3A_204 = arith.constant 0 : i32
          %parallel_loop3A_205 = tpu.memref_slice %arg9[%parallel_loop3A_142, %parallel_loop3A_203, %parallel_loop3A_204] : memref<4x80x64xi32, #tpu.memory_space<vmem>> -> memref<1x80x64xi32, #tpu.memory_space<vmem>>
          %parallel_loop3A_206 = tpu.memref_squeeze %parallel_loop3A_205 : memref<1x80x64xi32, #tpu.memory_space<vmem>> -> memref<80x64xi32, #tpu.memory_space<vmem>>
          %parallel_loop3A_207 = arith.index_cast %parallel_loop3A_143 : i32 to index
          %parallel_loop3A_208 = arith.constant 48 : index
          %parallel_loop3A_209 = tpu.vector_load %parallel_loop3A_206[%parallel_loop3A_207, %parallel_loop3A_208] {strides = array<i32>} : memref<80x64xi32, #tpu.memory_space<vmem>>, vector<16xi32>,
          %parallel_loop3A_210 = vector.bitcast %parallel_loop3A_209 : vector<16xi32> to vector<32xbf16>
          %parallel_loop3A_211 = arith.mulf %parallel_loop3A_202, %parallel_loop3A_210 : vector<32xbf16>
          %parallel_loop3A_212 = arith.addf %parallel_loop3A_160, %parallel_loop3A_177 : vector<32xbf16>
          %parallel_loop3A_213 = arith.addf %parallel_loop3A_194, %parallel_loop3A_211 : vector<32xbf16>
          %parallel_loop3A_214 = arith.addf %parallel_loop3A_212, %parallel_loop3A_213 : vector<32xbf16>
          %parallel_loop3A_215 = tpu.unpack_subelements %parallel_loop3A_214, 0 {pack_format = #tpu.pack_format<interleaved>} : vector<32xbf16> -> vector<16xf32>
          %parallel_loop3A_216 = tpu.unpack_subelements %parallel_loop3A_214, 1 {pack_format = #tpu.pack_format<interleaved>} : vector<32xbf16> -> vector<16xf32>
          %parallel_loop3A_217 = arith.addf %parallel_loop3A_215, %parallel_loop3A_216 : vector<16xf32>
          %parallel_loop3A_218 = arith.constant true
          %parallel_loop3A_219 = vector.broadcast %parallel_loop3A_218 : i1 to vector<16xi1>
          %parallel_loop3A_220 = tpu.scan <sum>, %parallel_loop3A_217 masked %parallel_loop3A_219 : vector<16xf32>, vector<16xi1> -> vector<16xf32>
          %parallel_loop3A_221 = arith.constant 0.000000e+00 : f32
          %parallel_loop3A_222 = vector.broadcast %parallel_loop3A_221 : f32 to vector<16xf32>
          %parallel_loop3A_223 = arith.subf %parallel_loop3A_222, %parallel_loop3A_220 : vector<16xf32>
          %parallel_loop3A_224 = math.exp %parallel_loop3A_223 : vector<16xf32>
          %parallel_loop3A_225 = arith.constant 1.000000e+00 : f32
          %parallel_loop3A_226 = vector.broadcast %parallel_loop3A_225 : f32 to vector<16xf32>
          %parallel_loop3A_227 = arith.addf %parallel_loop3A_226, %parallel_loop3A_224 : vector<16xf32>
          %parallel_loop3A_228 = arith.constant 1.000000e+00 : f32
          %parallel_loop3A_229 = vector.broadcast %parallel_loop3A_228 : f32 to vector<16xf32>
          %parallel_loop3A_230 = arith.divf %parallel_loop3A_229, %parallel_loop3A_227 : vector<16xf32>
          %parallel_loop3A_231 = arith.constant 80 : i32
          %parallel_loop3A_232 = arith.muli %add3A_106, %parallel_loop3A_231 : i32
          %parallel_loop3A_233 = arith.addi %parallel_loop3A_232, %parallel_loop3A_143 : i32
          %parallel_loop3A_234 = vector.broadcast %parallel_loop3A_233 : i32 to vector<16xi32>
          tpu.vector_store_idx %arg10[%parallel_loop3A_234], %parallel_loop3A_230 masked %eq3A_11 : memref<10000xf32, #tpu.memory_space<vmem>>[vector<16xi32>], vector<16xf32>, vector<16xi1>
        } {sc.loop_unroll_factor = 8 : i64, sc.parallel_access}
      } else {
      }
    }
    %scan3A_75 = arith.constant 32 : i32
    "tpu.region"() ({
      %run_scoped3A = tpu.sem_alloc : memref<!tpu.dma_semaphore, #tpu.memory_space<semaphore_mem>>
      %dma_start3A_76 = tpu.memref_slice %arg5[%mul3A_2] : memref<320000xf32, #tpu.memory_space<hbm>> -> memref<10000xf32, #tpu.memory_space<hbm>>
      %dma_start3A_77 = tpu.memref_slice %arg5[%mul3A_2] : memref<320000xf32, #tpu.memory_space<hbm>> -> memref<10000xf32, #tpu.memory_space<hbm>>
      tpu.enqueue_dma source(%arg10 : memref<10000xf32, #tpu.memory_space<vmem>>) target(%dma_start3A_77 : memref<10000xf32, #tpu.memory_space<hbm>>) target_semaphore(%run_scoped3A : memref<!tpu.dma_semaphore, #tpu.memory_space<semaphore_mem>>)
      %dma_wait3A = tpu.memref_slice %arg5[%mul3A_2] : memref<320000xf32, #tpu.memory_space<hbm>> -> memref<10000xf32, #tpu.memory_space<hbm>>
      %dma_wait3A_78 = tpu.memref_slice %arg5[%mul3A_2] : memref<320000xf32, #tpu.memory_space<hbm>> -> memref<10000xf32, #tpu.memory_space<hbm>>
      tpu.wait_dma2 semaphore(%run_scoped3A : memref<!tpu.dma_semaphore, #tpu.memory_space<semaphore_mem>>) src(%arg10 : memref<10000xf32, #tpu.memory_space<vmem>>) dst(%dma_wait3A_78 : memref<10000xf32, #tpu.memory_space<hbm>>)
      tpu.yield
    }) : () -> ()
    return
  }
}

</mosaic_0001>

<sc_bundles>
// kernel: kernel.3.cloned.1.call-start
scs
__scs_entry_jumppad:
0x0: {  	(pc) =	sbr.rel $0x88, $3  }
0x1: {  	(tag) =	ssettag $0x0;
	lr =	simm.s32 $0x1  }
0x2: {  	[smem:$0x3F9F] =	sst lr;
	_ =	strace $0xD0000000  }
0x3: {  	_ = 	snop  }
0x4: {  	_ = 	snop  }
0x5: {  	_ = 	snop  }
0x6: {  	_ = 	snop  }
0x7: {  	_ = 	snop  }
__scs_overlays_trampoline_lowered:
0x8: {  	[smem:$0x3FAE] =	sst s0  }
0x9: {  	[smem:$0x3FAF] =	sst s1  }
0xa: {  	[smem:$0x3FB0] =	sst s2  }
0xb: {  	[smem:$0x3FB1] =	sst s3  }
0xc: {  	[smem:$0x3FB2] =	sst s4  }
0xd: {  	[smem:$0x3FB3] =	sst s5  }
0xe: {  	[smem:$0x3FB4] =	sst s6  }
0xf: {  	[smem:$0x3FB5] =	sst s7  }
0x10: {  	[smem:$0x3FB6] =	sst s8  }
0x11: {  	[smem:$0x3FB7] =	sst s9;
	s0 =	simm.s32 @!p0 $0x0  }
0x12: {  	s1 =	sld [smem:$0x3F9D];
	s0 =	simm.s32 @p0 $0x1  }
0x13: {  	[smem:$0x3FB8] =	sst s0;
	s0 =	simm.s32 @!p1 $0x0  }
0x14: {  	s2 =	sld [smem:$0x3F9C];
	s0 =	simm.s32 @p1 $0x1  }
0x15: {  	[smem:$0x3FB9] =	sst s0;
	s0 =	simm.s32 @!p2 $0x0  }
0x16: {  	s3 =	sld [smem:$0x3FDB];
	s0 =	simm.s32 @p2 $0x1  }
0x17: {  	s4 =	simm.s32 $0x1BF5;
	[smem:$0x3FBB] =	sst s0  }
0x18: {  	s0 =	sld [smem:$0x3F9E];
	_ =	swait.ge [sflag:s4], $0x0  }
0x19: {  	s7 =	sld [smem:$0x3F9F]  }
0x1a: {  	s8 =	sadd.s32 $0xFFFFE003, lr  }
0x1b: {  	s9 =	sadd.s32 $0xFFFFFEF7, lr;
	s5 =	simm.s32 $0xFFFFFFFF;
	p2 =	slt.u32 s8, $0xFFFFF086  }
0x1c: {  	p1 =	slt.u32 s9, $0xF7A;
	s5 =	simm.s32 @!p2 $0x0  }
0x1d: {  	s5 =	simm.s32 @p1 $0x1;
	p0 =	seq.s32 s7, s2  }
0x1e: {  	s7 =	smul.u32 @!p0 $0xF7A, s2;
	p2 =	seq.s32 @!p0 s5, $0x0  }
0x1f: {  	s9 =	smul.u32 $0xF7A, s1;
	s8 =	simm.s32 @!p0 $0x1BF5;
	p2 =	por !p2, p0  }
0x20: {  	[sflag:s8] =	ssyncset.s32 @!p0 $0xFFFFF086;
	s6 =	sadd.s32 @!p0 s3, s7;
	s7 =	simm.s32 @!p0 $0x108  }
0x21: {  	s3 =	sadd.s32 s3, s9;
	s6 =	sadd.s32 @!p0 $0x88, s6;
	s7 =	simm.s32 @p2 $0x1082  }
0x22: {  	[simem:s7], [sflag:s8] =	dma.local @!p0 [hbm:s6], $0xF7A  }
0x23: {  	s9 =	sor.u32 $0xD0000000, s2;
	s6 =	simm.s32 $0x108;
	_ =	swait.ge @!p0 [sflag:s8], $0x0  }
0x24: {  	s3 =	sadd.s32 $0x88, s3;
	s6 =	simm.s32 @!p1 $0x1082;
	[sflag:s4] =	ssyncset.s32 $0xFFFFF086  }
0x25: {  	[simem:s6], [sflag:s4] =	dma.local [hbm:s3], $0xF7A  }
0x26: {  	[smem:$0x3F9F] =	sst s1;
	(tag) =	ssettag s2;
	_ =	strace s9  }
0x27: {  	s1 =	sld [smem:$0x3FAF]  }
0x28: {  	s2 =	sld [smem:$0x3FB0]  }
0x29: {  	s4 =	sld [smem:$0x3FB2]  }
0x2a: {  	p0 =	seq.s32 s5, $0x0;
	s5 =	sld [smem:$0x3FB3]  }
0x2b: {  	s6 =	sld [smem:$0x3FB4]  }
0x2c: {  	s7 =	sld [smem:$0x3FB5]  }
0x2d: {  	s3 =	simm.s32 $0x108;
	s8 =	sld [smem:$0x3FB6]  }
0x2e: {  	s3 =	simm.s32 @!p0 $0x1082;
	s9 =	sld [smem:$0x3FB7]  }
0x2f: {  	lr =	sadd.s32 s0, s3;
	s0 =	sld [smem:$0x3FAE]  }
0x30: {  	s3 =	sld [smem:$0x3FB1]  }
0x31: {  	[smem:$0x3FBA] =	sst s10  }
0x32: {  	s10 =	sld [smem:$0x3FB8];
	_ =	sdelay $0x3  }
0x33: {  	p0 =	seq.s32 s10, $0x1;
	s10 =	sld [smem:$0x3FBA];
	_ =	sdelay $0x3  }
0x34: {  	[smem:$0x3FBA] =	sst s10  }
0x35: {  	s10 =	sld [smem:$0x3FB9];
	_ =	sdelay $0x3  }
0x36: {  	p1 =	seq.s32 s10, $0x1;
	s10 =	sld [smem:$0x3FBA];
	_ =	sdelay $0x3  }
0x37: {  	[smem:$0x3FBA] =	sst s10  }
0x38: {  	s10 =	sld [smem:$0x3FBB]  }
0x39: {  	_ = 	snop;
	(pc) =	sbr.ind lr, $3  }
0x3a: {  	_ = 	snop  }
0x3b: {  	_ = 	snop  }
0x3c: {  	p2 =	seq.s32 s10, $0x1;
	s10 =	sld [smem:$0x3FBA]  }
0x3d: {  	_ =	shalt  }
0x3e: {  	_ =	shalt  }
0x3f: {  	_ =	shalt  }
0x40: {  	_ =	shalt  }
0x41: {  	_ =	shalt  }
0x42: {  	_ =	shalt  }
0x43: {  	_ =	shalt  }
0x44: {  	_ =	shalt  }
0x45: {  	_ =	shalt  }
0x46: {  	_ =	shalt  }
0x47: {  	_ =	shalt  }
0x48: {  	_ =	shalt  }
0x49: {  	_ =	shalt  }
0x4a: {  	_ =	shalt  }
0x4b: {  	_ =	shalt  }
0x4c: {  	_ =	shalt  }
0x4d: {  	_ =	shalt  }
0x4e: {  	_ =	shalt  }
0x4f: {  	_ =	shalt  }
0x50: {  	_ =	shalt  }
0x51: {  	_ =	shalt  }
0x52: {  	_ =	shalt  }
0x53: {  	_ =	shalt  }
0x54: {  	_ =	shalt  }
0x55: {  	_ =	shalt  }
0x56: {  	_ =	shalt  }
0x57: {  	_ =	shalt  }
0x58: {  	_ =	shalt  }
0x59: {  	_ =	shalt  }
0x5a: {  	_ =	shalt  }
0x5b: {  	_ =	shalt  }
0x5c: {  	_ =	shalt  }
0x5d: {  	_ =	shalt  }
0x5e: {  	_ =	shalt  }
0x5f: {  	_ =	shalt  }
0x60: {  	_ =	shalt  }
0x61: {  	_ =	shalt  }
0x62: {  	_ =	shalt  }
0x63: {  	_ =	shalt  }
0x64: {  	_ =	shalt  }
0x65: {  	_ =	shalt  }
0x66: {  	_ =	shalt  }
0x67: {  	_ =	shalt  }
0x68: {  	_ =	shalt  }
0x69: {  	_ =	shalt  }
0x6a: {  	_ =	shalt  }
0x6b: {  	_ =	shalt  }
0x6c: {  	_ =	shalt  }
0x6d: {  	_ =	shalt  }
0x6e: {  	_ =	shalt  }
0x6f: {  	_ =	shalt  }
0x70: {  	_ =	shalt  }
0x71: {  	_ =	shalt  }
0x72: {  	_ =	shalt  }
0x73: {  	_ =	shalt  }
0x74: {  	_ =	shalt  }
0x75: {  	_ =	shalt  }
0x76: {  	_ =	shalt  }
0x77: {  	_ =	shalt  }
0x78: {  	_ =	shalt  }
0x79: {  	_ =	shalt  }
0x7a: {  	_ =	shalt  }
0x7b: {  	_ =	shalt  }
0x7c: {  	_ =	shalt  }
0x7d: {  	_ =	shalt  }
0x7e: {  	_ =	shalt  }
0x7f: {  	_ =	shalt  }
0x80: {  	_ =	shalt  }
0x81: {  	_ =	shalt  }
0x82: {  	_ =	shalt  }
0x83: {  	_ =	shalt  }
0x84: {  	_ =	shalt  }
0x85: {  	_ =	shalt  }
0x86: {  	_ =	shalt  }
0x87: {  	_ =	shalt  }
.Lfunc_end0:
.L_simem_size_0:
called_computation_lowered:
.L_overlay_start_0:
0x88: {  	s2 =	sld [smem:$0x3FD9]  }
0x89: {  	s3 =	sld [smem:$0x3FFE];
	_ =	sdelay $0x1  }
0x8a: {  	s1 =	srdreg.scid  }
0x8b: {  	s0 =	sand.u32 $0x1, s1  }
0x8c: {  	s17 =	sshll.u32 s0, $0xA;
	s2 =	sadd.s32 s3, s2  }
0x8d: {  	s2 =	sadd.s32 s2, s17  }
0x8e: {  	[smem:$0x3FC6] =	sst s2  }
0x8f: {  	_ = 	snop  }
0x90: {  	s2 =	sld [smem:$0x3FD0];
	(tm) =	ssettm $0x1  }
0x91: {  	s18 =	sld [smem:$0x3FFB];
	_ =	sdelay $0x3  }
0x92: {  	_ =	strace s18  }
0x93: {  	s3 =	sld [smem:$0x3FFC];
	_ =	sdelay $0x3  }
0x94: {  	_ =	strace s3  }
0x95: {  	s3 =	sld [smem:$0x3FFD];
	_ =	sdelay $0x3  }
0x96: {  	_ =	strace s3  }
0x97: {  	_ =	strace $0x8FFFFFFF  }
0x98: {  	s19 =	sld [smem:$0x3FDB];
	_ =	sdelay $0x1  }
0x99: {  	s4 =	simm.s32 $_scs_section_size  }
0x9a: {  	s5 =	simm.s32 $_size__tile_overlayer_lowered;
	s6 =	simm.s32 $_tile_overlayer_lowered  }
0x9b: {  	s22 =	simm.s32 $0x1BFF;
	s21 =	sshll.u32 s6, $0x1;
	s3 =	sadd.s32 s4, s19  }
0x9c: {  	s7 =	simm.s32 $0x0;
	s20 =	sshll.u32 s5, $0x1;
	s5 =	sadd.s32 s21, s3  }
0x9d: {  	[timem:s7], [sflag:s22] =	dma.local [hbm:s5], s20  }
0x9e: {  	_ =	swait.ge [sflag:s22], s20  }
0x9f: {  	s4 =	ssub.s32 $0x0, s20;
	[sflag:s22] =	ssyncset.done $0x0  }
0xa0: {  	[sflag:s22] =	ssyncadd.s32 s4;
	_ =	sdelay $0x1  }
0xa1: {  	s23 =	simm.s32 $0x1B8B  }
0xa2: {  	_ =	swait.ge [sflag:s23], $0x1  }
0xa3: {  	[sflag:s23] =	ssyncset.done $0x0  }
0xa4: {  	s25 =	simm.s32 $0x1B8E;
	s24 =	sld [smem:$0x3FFE];
	[sflag:s23] =	ssyncadd.s32 $0xFFFFFFFF  }
0xa5: {  	s26 =	simm.s32 $execute0_lowered;
	[smem:$0x3FD2] =	sst s25  }
0xa6: {  	s5 =	sshll.u32 s26, $0x1;
	_ =	strace $0x80000046;
	[dreg:$0x1] =	wrdreg $0xFFFFFFFF  }
0xa7: {  	s28 =	simm.s32 $_size_execute0_lowered;
	s3 =	sadd.s32 s3, s5;
	[dreg:$0x0] =	wrdreg $0x0  }
0xa8: {  	s5 =	sshll.u32 s28, $0x1;
	[dreg:$0x2] =	wrdreg s3  }
0xa9: {  	[dreg:$0x3] =	wrdreg s5  }
0xaa: {  	[dreg:$0x4] =	wrdreg $0xC0  }
0xab: {  	_ =	task [dreg:s7], $0x5FFFF  }
0xac: {  	[dreg:$0x1] =	wrdreg $0xFFFFFFFF  }
0xad: {  	[dreg:$0x0] =	wrdreg $0x60  }
0xae: {  	[dreg:$0x2] =	wrdreg s24  }
0xaf: {  	[dreg:$0x3] =	wrdreg s2  }
0xb0: {  	[dreg:$0x4] =	wrdreg $0x115300  }
0xb1: {  	[dreg:$0x5] =	wrdreg $0x9  }
0xb2: {  	_ =	task.clear_ibuf [dreg:s7], $0x6FFFF;
	_ =	strace $0x90000046  }
0xb3: {  	s29 =	simm.s32 $0x9;
	_ =	strace $0x80000048  }
0xb4: {  	_ =	swait.ge [sflag:s29], $0x1  }
0xb5: {  	[sflag:s29] =	ssyncadd.s32 $0xFFFFFFFF  }
0xb6: {  	_ =	strace $0x90000048  }
0xb7: {  	_ =	sfence  }
0xb8: {  	s30 =	sld [smem:$0x0];
	_ =	sdelay $0x2  }
0xb9: {  	s31 =	sshll.u32 s1, $0xD;
	s1 =	sshrl.u32 s1, $0x2  }
0xba: {  	s3 =	sand.u32 $0x4000, s31;
	s1 =	sadd.s32 s1, s30  }
0xbb: {  	s0 =	sor.u32 s3, s0;
	s1 =	sshll.u32 s1, $0x11  }
0xbc: {  	s0 =	sor.u32 s1, s0  }
0xbd: {  	s0 =	sadd.s32 $0x8F2B, s0  }
0xbe: {  	[sflag:s0] =	ssyncadd.remote.s32 $0x1  }
0xbf: {  	_ =	sfence.sel $0xFFFF  }
0xc0: {  	[dreg:$0x0] =	wrdreg $0xFFFFFFFF;
	(pc) =	sbr.abs _section_cstart, $3  }
0xc1: {  	[dreg:$0x1] =	wrdreg $0xFFFFFFFF  }
0xc2: {  	_ =	task.clear_ibuf [dreg:s7], $0x2FFFF;
	_ =	strace $0x9FFFFFFF  }
0xc3: {  	(tm) =	ssettm $0x7FFFFFFF  }
tec
execute0_lowered:
.L_overlay_start_1:
0x0: {  	(tag) =	ssettag $0x1  }
0x1: {  	s0 =	rddreg [dreg:$0x0];
	s1 =	srdreg.scid  }
0x2: {  	s10 =	stileid.u32;
	s8 =	rddreg [dreg:$0x1];
	s14 =	simm.s32 $0x50  }
0x3: {  	s15 =	simm.s32 $0x4E20;
	s16 =	simm.s32 $0x9E20;
	s28 =	simm.s32 $0x3  }
0x4: {  	s29 =	simm.s32 $0x4;
	s30 =	simm.s32 $0x0;
	s3 =	sand.u32 $0x1, s1  }
0x5: {  	s2 =	sshll.u32 s10, $0x1;
	s1 =	rddreg [dreg:$0x2];
	s22 =	smul.u32 $0x9C00, s10  }
0x6: {  	s24 =	sshll.u32 s10, $0x6;
	p0 =	sne.s32 s10, $0x0;
	s4 =	sor.u32 s3, s2  }
0x7: {  	s2 =	simm.s32 $0x0;
	s3 =	ssub.s32 $0x2, s3;
	s13 =	sadd.s32 $0x9C000, s1  }
0x8: {  	s9 =	smul.u32 $0x4E2, s4;
	[smem:$0x7FF] =	sst s2;
	s5 =	sshrl.u32 s3, $0x1  }
0x9: {  	s23 =	sshrl.u32 s22, $0x3;
	s12 =	sadd.s32 s22, s1;
	s4 =	sor.u32 $0x1C05, s24  }
0xa: {  	s24 =	simm.s32 $0x1;
	_ =	strace $0x80000047;
	s11 =	ssub.s32 s3, s5  }
0xb: {  	s3 =	sadd.s32 s0, s23;
	s10 =	sshrl.u32 s12, $0x3;
	s7 =	sadd.s32 s9, s0  }
.Ltmp0:
0xc: {  	[dreg:$0x4] =	wrdreg s3;
	s0 =	sadd.s32 $0x13800, s0;
	(pc) =	sbr.rel .LBB2_1-.Ltmp0, $4  }
0xd: {  	s12 =	sshrl.u32 @!p0 s13, $0x3;
	s31 =	sadd.s32 s8, s9;
	[dreg:$0x5] =	wrdreg s0  }
0xe: {  	s9 =	smax.u32 s11, $0x1;
	s25 =	sadd.s32 $0x1D800, s7;
	[dreg:$0x8] =	wrdreg s31  }
0xf: {  	v0 =	vimm.s32 $0x0;
	vm0 =	vcmask $0x300;
	s11 =	simm.s32 $0x5;
	s26 =	sadd.s32 $0x13A00, s7;
	[dreg:$0x6] =	wrdreg s25  }
0x10: {  	v0 =	vsel vm0, $0x3, v0;
	vm0 =	vcmask $0x3F3C;
	[dreg:$0x7] =	wrdreg s26;
	s25 =	simm.s32 $0xEE20;
	s26 =	simm.s32 $0x2  }
.LBB2_17:
0x11: {  	s30 =	sadd.s32 $0x1, s30  }
0x12: {  	p1 =	sne.s32 s30, s9  }
.Ltmp1:
0x13: {  	s0 =	rddreg [dreg:$0x8];
	(pc) =	sbr.rel @!p1 .LBB2_18-.Ltmp1, $4  }
0x14: {  	[hbm4b:s0+s2] =	stream.linear.scatter [tilespmem:s25], [sflag:$0x5], $0x2710, $0x38;
	[tilespmem:$0x1B170] =	vst v63  }
0x15: {  	_ =	swait.ge [sflag:s11], $0x2710  }
0x16: {  	[sflag:s11] =	ssyncset.done $0x0  }
0x17: {  	[sflag:s11] =	ssyncadd.s32 $0xFFFFD8F0  }
.LBB2_1:
0x18: {  	s0 =	rddreg [dreg:$0x4]  }
0x19: {  	[spmem:s10], [sflag:s4] =	dma.local [hbm:s0], $0x1380  }
0x1a: {  	_ =	swait.ge [sflag:s11], $0x1380  }
0x1b: {  	[sflag:s11] =	ssyncset.done $0x0  }
0x1c: {  	s0 =	rddreg [dreg:$0x5];
	[sflag:s11] =	ssyncadd.s32 $0xFFFFEC80  }
0x1d: {  	[spmem:s12], [sflag:s4] =	dma.local @!p0 [hbm:s0], $0x80  }
0x1e: {  	s0 =	simm.s32 @!p0 $0x5  }
0x1f: {  	_ =	swait.ge @!p0 [sflag:s0], $0x80  }
0x20: {  	[sflag:s0] =	ssyncset.done @!p0 $0x0  }
0x21: {  	s8 =	rddreg [dreg:$0x6];
	[sflag:s0] =	ssyncadd.s32 @!p0 $0xFFFFFF80  }
0x22: {  	[tilespmem:s2], [sflag:$0x5] =	stream.linear.gather [hbm4b:s8+s2], $0x2710, $0x38;
	[tilespmem:$0x1B170] =	vst v63  }
0x23: {  	_ =	swait.ge [sflag:s11], $0x2710  }
0x24: {  	[sflag:s11] =	ssyncset.done $0x0  }
0x25: {  	s3 =	simm.s32 $0x2710;
	s13 =	rddreg [dreg:$0x7];
	[sflag:s11] =	ssyncadd.s32 $0xFFFFD8F0  }
0x26: {  	[tilespmem:s3], [sflag:$0x5] =	stream.linear.gather [hbm4b:s13+s2], $0x2710, $0x38;
	[tilespmem:$0x1B170] =	vst v63  }
0x27: {  	_ =	swait.ge [sflag:s11], $0x2710  }
0x28: {  	[sflag:s11] =	ssyncset.done $0x0  }
0x29: {  	[sflag:s11] =	ssyncadd.s32 $0xFFFFD8F0  }
0x2a: {  	[bflag:$0x0] =	sbarrier.arrive $0xFFFF  }
0x2b: {  	[tilespmem:s15], [sflag:$0x1] =	stream.indirect.gather [spmem:s1], $0x40, s2, s14, $0xb8;
	[tilespmem:$0x1B170] =	vst v63  }
0x2c: {  	_ = 	snop  }
0x2d: {  	[tilespmem:s16], [sflag:$0x1] =	stream.indirect.gather [spmem:s1], $0x40, s3, s14, $0xb8;
	[tilespmem:$0x1B170] =	vst v63  }
0x2e: {  	s17 =	simm.s32 $0x6220  }
0x2f: {  	[tilespmem:s17], [sflag:$0x2] =	stream.indirect.gather [spmem:s1], $0x40, s14, s14, $0xb8;
	[tilespmem:$0x1B170] =	vst v63  }
0x30: {  	s18 =	simm.s32 $0x2760;
	s19 =	simm.s32 $0xB220  }
0x31: {  	[tilespmem:s19], [sflag:$0x2] =	stream.indirect.gather [spmem:s1], $0x40, s18, s14, $0xb8;
	[tilespmem:$0x1B170] =	vst v63  }
.Ltmp2:
0x32: {  	_ = 	snop;
	(pc) =	sbr.rel .LBB2_2-.Ltmp2, $4  }
0x33: {  	s20 =	simm.s32 $0xA0;
	s21 =	simm.s32 $0x7620;
	s22 =	simm.s32 $0x27B0  }
0x34: {  	[tilespmem:s21], [sflag:$0x3] =	stream.indirect.gather [spmem:s1], $0x40, s20, s14, $0xb8;
	[tilespmem:$0x1B170] =	vst v63  }
0x35: {  	s23 =	simm.s32 $0xC620;
	s31 =	simm.s32 $0x0;
	s0 =	simm.s32 $0x0  }
0x36: {  	[tilespmem:s23], [sflag:$0x3] =	stream.indirect.gather [spmem:s1], $0x40, s22, s14, $0xb8;
	[tilespmem:$0x1B170] =	vst v63  }
.LBB2_16:
0x37: {  	s0 =	sadd.s32 $0x1, s0  }
0x38: {  	p1 =	sne.s32 s0, $0x20  }
.Ltmp3:
0x39: {  	_ = 	snop;
	(pc) =	sbr.rel @!p1 .LBB2_17-.Ltmp3, $2  }
0x3a: {  	_ =	sdelay $0x2  }
0x3b: {  	s31 =	sadd.s32 $0x140, s31  }
.LBB2_2:
0x3c: {  	_ =	swait.ge [sflag:s24], $0x1400  }
0x3d: {  	[sflag:s24] =	ssyncset.done $0x0  }
0x3e: {  	s17 =	sshllo.u32 s0, $0x2;
	[sflag:s24] =	ssyncadd.s32 $0xFFFFEC00  }
0x3f: {  	p1 =	sgt.u32 s17, $0x7C;
	_ =	swait.ge [sflag:s24], $0x1400  }
0x40: {  	s17 =	smul.u32 @!p1 $0x50, s17;
	[sflag:s24] =	ssyncset.done $0x0  }
0x41: {  	s18 =	simm.s32 @!p1 $0x50;
	s19 =	simm.s32 @!p1 $0x8A20;
	[sflag:s24] =	ssyncadd.s32 $0xFFFFEC00  }
0x42: {  	[tilespmem:s19], [sflag:$0x4] =	stream.indirect.gather @!p1 [spmem:s1], $0x40, s17, s18, $0xb8;
	[tilespmem:$0x1B170] =	vst v63  }
0x43: {  	s21 =	simm.s32 $0x4F20;
	s17 =	sadd.s32 @!p1 $0x2710, s17;
	s19 =	simm.s32 @!p1 $0xDA20  }
0x44: {  	[tilespmem:s19], [sflag:$0x4] =	stream.indirect.gather @!p1 [spmem:s1], $0x40, s17, s18, $0xb8;
	[tilespmem:$0x1B170] =	vst v63  }
0x45: {  	s19 =	simm.s32 $0x9F20;
	v2 =	vld [tilespmem:s21+$0xC0]  }
0x46: {  	v3 =	vld [tilespmem:s19+$0xC0]  }
0x47: {  	v4 =	vld [tilespmem:s21+$0xD0]  }
0x48: {  	v5 =	vld [tilespmem:s19+$0xD0]  }
0x49: {  	v6 =	vld [tilespmem:s21+$0xE0]  }
0x4a: {  	v7 =	vld [tilespmem:s19+$0xE0]  }
0x4b: {  	v8 =	vld [tilespmem:s21+$0xF0]  }
0x4c: {  	v9 =	vld [tilespmem:s19+$0xF0]  }
0x4d: {  	v1 =	vld [tilespmem:s19+$0xFFFFFF00]  }
0x4e: {  	v12 =	vld [tilespmem:s21+$0xFFFFFF20]  }
0x4f: {  	v14 =	vld [tilespmem:s21+$0xFFFFFF60]  }
0x50: {  	v15 =	vld [tilespmem:s21+$0xFFFFFF70]  }
0x51: {  	v16 =	vld [tilespmem:s21+$0xFFFFFF80];
	v2 =	vmul.bf16 v3, v2;
	v3 =	vmul.bf16 v5, v4  }
0x52: {  	v17 =	vld [tilespmem:s19+$0xFFFFFF80];
	v5 =	vmul.bf16 v7, v6;
	v6 =	vmul.bf16 v9, v8  }
0x53: {  	v18 =	vld [tilespmem:s21+$0xFFFFFF90]  }
0x54: {  	v19 =	vld [tilespmem:s19+$0xFFFFFF90];
	v2 =	vadd.bf16 v3, v2;
	v3 =	vadd.bf16 v6, v5  }
0x55: {  	v21 =	vld [tilespmem:s19+$0xFFFFFFD0]  }
0x56: {  	v9 =	vld [tilespmem:s19+$0xFFFFFF50];
	v2 =	vadd.bf16 v3, v2  }
0x57: {  	v5 =	vld [tilespmem:s21+$0xFFFFFF40]  }
0x58: {  	v6 =	vld [tilespmem:s19+$0xFFFFFF40];
	v13 =	vunpack.i.u.bf16.f32 v2;
	v2 =	vunpack.i.l.bf16.f32 v2  }
0x59: {  	v3 =	vld [tilespmem:s21+$0xFFFFFF50];
	v2 =	vadd.f32 v2, v13  }
0x5a: {  	v4 =	vld [tilespmem:s19+$0xFFFFFF20]  }
0x5b: {  	v13 =	vld [tilespmem:s19+$0xFFFFFF60];
	(xrf2) =	vadd.scan.msk.f32 $0xffff, v2  }
0x5c: {  	v2 =	vld [tilespmem:s19+$0xFFFFFF70]  }
0x5d: {  	v7 =	vld [tilespmem:s21+$0xFFFFFF30]  }
0x5e: {  	v8 =	vld [tilespmem:s19+$0xFFFFFF30];
	v5 =	vmul.bf16 v6, v5;
	v3 =	vmul.bf16 v9, v3  }
0x5f: {  	v6 =	vld [tilespmem:s21+$0xFFFFFFA0]  }
0x60: {  	v3 =	vadd.bf16 v3, v5;
	v5 =	vld [tilespmem:s19+$0xFFFFFFB0]  }
0x61: {  	v9 =	vmul.bf16 v13, v14;
	v13 =	vld [tilespmem:s19+$0xFFFFFFA0];
	v2 =	vmul.bf16 v2, v15  }
0x62: {  	v14 =	vld [tilespmem:s21+$0xFFFFFFB0]  }
0x63: {  	v16 =	vmul.bf16 v17, v16;
	v17 =	vld [tilespmem:s21+$0xFFFFFFD0];
	v2 =	vadd.bf16 v2, v9  }
0x64: {  	v18 =	vmul.bf16 v19, v18;
	v19 =	vld [tilespmem:s19+$0x10]  }
0x65: {  	v9 =	vld [tilespmem:s21+$0xFFFFFFC0];
	v2 =	vadd.bf16 v2, v3;
	v15, _, _ =	vpop (xrf2)  }
0x66: {  	v6 =	vmul.bf16 v13, v6;
	v3 =	vld [tilespmem:s19+$0xFFFFFFC0];
	v15 =	vsub.f32 $0.0e+00, v15  }
0x67: {  	v13 =	vld [tilespmem:s21+$0xFFFFFFE0];
	v5 =	vmul.bf16 v5, v14;
	v20 =	vunpack.i.u.bf16.f32 v2;
	v2 =	vunpack.i.l.bf16.f32 v2  }
0x68: {  	v14 =	vld [tilespmem:s19+$0xFFFFFFE0];
	v2 =	vadd.f32 v2, v20;
	v15 =	vmul.f32 $1.442695020e+00, v15  }
0x69: {  	v5 =	vadd.bf16 v5, v6;
	v6 =	vld [tilespmem:s19+$0xFFFFFFF0]  }
0x6a: {  	(xrf2) =	vadd.scan.msk.f32 $0xffff, v2;
	v2 =	vadd.bf16 v18, v16;
	v16 =	vld [tilespmem:s21+$0x0];
	(erf) = vpow2.f32 v15  }
0x6b: {  	v3 =	vmul.bf16 v3, v9;
	v9 =	vld [tilespmem:s21+$0x10]  }
0x6c: {  	v15 =	vld [tilespmem:s21+$0xFFFFFFF0]  }
0x6d: {  	v2 =	vadd.bf16 v5, v2;
	v5 =	vld [tilespmem:s19+$0x0]  }
0x6e: {  	v10 =	vld [tilespmem:s21+$0xFFFFFF10]  }
0x6f: {  	v11 =	vld [tilespmem:s19+$0xFFFFFF10];
	v17 =	vmul.bf16 v21, v17;
	v18 =	vunpack.i.u.bf16.f32 v2;
	v2 =	vunpack.i.l.bf16.f32 v2  }
0x70: {  	v4 =	vmul.bf16 v4, v12;
	v7 =	vmul.bf16 v8, v7;
	v8 =	vld [tilespmem:s19+$0x20];
	v2 =	vadd.f32 v2, v18  }
0x71: {  	s6 =	sadd.s32 $0xFFFFFFF8, s31;
	v13 =	vmul.bf16 v14, v13;
	v14 =	vld [tilespmem:s21+$0x20];
	v12 =	vadd.bf16 v17, v3;
	v6 =	vmul.bf16 v6, v15  }
0x72: {  	s23 =	sadd.s32 $0xD, s6;
	v3 =	vadd.bf16 v7, v4;
	v4 =	vld [tilespmem:s19+$0x30];
	v9 =	vmul.bf16 v19, v9;
	(xrf2) =	vadd.scan.msk.f32 $0xffff, v2;
	v5 =	vmul.bf16 v5, v16  }
0x73: {  	v19 =	vmov s23;
	v6 =	vadd.bf16 v6, v13;
	v13 =	vld [tilespmem:s21+$0x30];
	v15 =	vpop (erf)  }
0x74: {  	s7 =	sadd.s32 $0xF, s6;
	v2 =	vmul.bf16 v11, v10;
	v10 =	vld [tilespmem:s21+$0x40];
	v5 =	vadd.bf16 v9, v5;
	v11, _, _ =	vpop (xrf2);
	v7 =	vadd.f32 $1.000000000e+00, v15  }
0x75: {  	v16 =	vld [tilespmem:s19+$0x60];
	v6 =	vadd.bf16 v6, v12;
	v11 =	vsub.f32 $0.0e+00, v11;
	v15 =	vmov s7  }
0x76: {  	v12 =	vld [tilespmem:s19+$0x40];
	v9 =	vshrl.u32 v15, $0x3;
	(erf) = vrcp.f32 v7;
	v7 =	vmul.bf16 v8, v14  }
0x77: {  	v15 =	vld [tilespmem:s19+$0x50];
	v14 =	vunpack.i.u.bf16.f32 v6;
	v6 =	vunpack.i.l.bf16.f32 v6;
	v9 =	vshll.u32 v9, v0  }
0x78: {  	s23 =	sadd.s32 $0xE, s6;
	v8 =	vld [tilespmem:s21+$0x50];
	v4 =	vmul.bf16 v4, v13;
	v11 =	vmul.f32 $1.442695020e+00, v11;
	v6 =	vadd.f32 v6, v14  }
0x79: {  	s8 =	sadd.s32 $0x9, s6;
	v20 =	vmov s23;
	v13 =	vld [tilespmem:s21+$0x60];
	v9 =	vadd.s32 $0x7, v9  }
0x7a: {  	s20 =	sadd.s32 $0xA, s6;
	s22 =	sadd.s32 $0xC, s6;
	v18 =	vld [tilespmem:s19+$0x70];
	v14 =	vmov s8;
	v17 =	vbroadcast v9, $0x0;
	v4 =	vadd.bf16 v4, v7;
	(xrf2) =	vadd.scan.msk.f32 $0xffff, v6  }
0x7b: {  	s13 =	sadd.s32 $0xB, s6;
	v9 =	vmov s20;
	v7 =	vmul.bf16 v12, v10;
	v10 =	vld [tilespmem:s21+$0x70];
	v12 =	vmov s22  }
0x7c: {  	v23 =	vld [tilespmem:s21+$0x90];
	(erf) = vpow2.f32 v11;
	v6 =	vmov s13;
	v4 =	vadd.bf16 v4, v5;
	v11, _, _ =	vpop (xrf2)  }
0x7d: {  	v25 =	vshrl.u32 v6, $0x3;
	v5 =	vmul.bf16 v15, v8;
	v8 =	vld [tilespmem:s21+$0x80];
	v11 =	vsub.f32 $0.0e+00, v11  }
0x7e: {  	v15 =	vshrl.u32 v14, $0x3;
	v14 =	vld [tilespmem:s19+$0x80];
	v16 =	vmul.bf16 v16, v13;
	v63 =	vunpack.i.u.bf16.f32 v4  }
0x7f: {  	v24 =	vld [tilespmem:s19+$0x90];
	v4 =	vunpack.i.l.bf16.f32 v4;
	v22 =	vadd.bf16 v5, v7;
	v5 =	vmul.f32 $1.442695020e+00, v11  }
0x80: {  	v13 =	vld [tilespmem:s19+$0xA0];
	v7 =	vshrl.u32 v9, $0x3;
	v21 =	vadd.f32 v4, v63;
	v4 =	vmul.bf16 v18, v10  }
0x81: {  	v11 =	vld [tilespmem:s21+$0xA0];
	v9 =	vshrl.u32 v12, $0x3;
	v10 =	vshrl.u32 v19, $0x3;
	(erf) = vpow2.f32 v5  }
0x82: {  	v12 =	vld [tilespmem:s21+$0xB0];
	v6 =	vshll.u32 v7, v0;
	v7 =	vshll.u32 v25, v0;
	v18 =	vadd.bf16 v4, v16;
	(xrf2) =	vadd.scan.msk.f32 $0xffff, v21  }
0x83: {  	s17 =	sadd.s32 $0x8, s6;
	s18 =	sshll.u32 s0, $0x2;
	v4 =	vshrl.u32 v20, $0x3;
	v14 =	vmul.bf16 v14, v8;
	v8 =	vshll.u32 v15, v0;
	v15 =	vld [tilespmem:s19+$0xB0];
	v5 =	vpop (erf)  }
0x84: {  	s20 =	simm.s32 $0x0;
	v16 =	vld [tilespmem:s21+$0xFFFFFF00];
	s21 =	simm.s32 $0x5120;
	[tilespmem:v17+s25+$0x0] =	vst.idx.msk vm0, v5;
	v5 =	vmov s17;
	s17 =	smul.u32 $0x140, s0;
	v17 =	vadd.bf16 v18, v22;
	v18 =	vmul.bf16 v24, v23;
	v19, _, _ =	vpop (xrf2)  }
.LBB2_3:
0x85: {  	v20 =	vld [tilespmem:s21+$0xC0];
	v19 =	vsub.f32 $0.0e+00, v19;
	v9 =	vshll.u32 v9, v0;
	v10 =	vshll.u32 v10, v0;
	s19 =	sadd.s32 $0x200, s19;
	v21 =	vpop (erf);
	s22 =	smov.u32 s20  }
0x86: {  	v22 =	vld [tilespmem:s19+$0xC0];
	v23 =	vunpack.i.u.bf16.f32 v17;
	v11 =	vmul.bf16 v13, v11;
	v13 =	vadd.bf16 v18, v14  }
0x87: {  	v18 =	vadd.f32 $1.000000000e+00, v21;
	v17 =	vunpack.i.l.bf16.f32 v17;
	v14 =	vld [tilespmem:s21+$0xD0];
	v19 =	vmul.f32 $1.442695020e+00, v19  }
0x88: {  	v4 =	vshll.u32 v4, v0;
	v17 =	vadd.f32 v17, v23;
	v21 =	vld [tilespmem:s19+$0xD0];
	v23 =	vmul.bf16 v15, v12  }
0x89: {  	v5 =	vshrl.u32 v5, $0x3;
	v15 =	vld [tilespmem:s21+$0xE0];
	v1 =	vmul.bf16 v1, v16;
	(erf) = vpow2.f32 v19  }
0x8a: {  	v8 =	vadd.s32 $0x1, v8;
	v16 =	vld [tilespmem:s19+$0xE0];
	v11 =	vadd.bf16 v23, v11;
	(erf) = vrcp.f32 v18;
	v12 =	vpop (erf);
	(xrf2) =	vadd.scan.msk.f32 $0xffff, v17  }
0x8b: {  	v6 =	vadd.s32 $0x2, v6;
	v17 =	vld [tilespmem:s21+$0xF0];
	v2 =	vadd.bf16 v2, v1;
	v12 =	vadd.f32 $1.000000000e+00, v12  }
0x8c: {  	s20 =	sadd.s32 $0x8, s20;
	v7 =	vadd.s32 $0x3, v7;
	v9 =	vadd.s32 $0x4, v9;
	v18 =	vld [tilespmem:s19+$0xF0];
	v11 =	vadd.bf16 v11, v13;
	v13, _, _ =	vpop (xrf2)  }
0x8d: {  	p2 =	slt.u32 s20, $0x48;
	v1 =	vld [tilespmem:s19+$0xFFFFFF00];
	v2 =	vadd.bf16 v3, v2;
	v3 =	vsub.f32 $0.0e+00, v13;
	(erf) = vrcp.f32 v12  }
0x8e: {  	v10 =	vadd.s32 $0x5, v10;
	v12 =	vld [tilespmem:s21+$0xFFFFFF10];
	v13 =	vunpack.i.u.bf16.f32 v11;
	v11 =	vunpack.i.l.bf16.f32 v11  }
0x8f: {  	v19 =	vld [tilespmem:s19+$0xFFFFFF10];
	v23 =	vunpack.i.u.bf16.f32 v2;
	v2 =	vunpack.i.l.bf16.f32 v2;
	v11 =	vadd.f32 v11, v13  }
0x90: {  	v20 =	vmul.bf16 v22, v20;
	v14 =	vmul.bf16 v21, v14;
	v13 =	vld [tilespmem:s21+$0xFFFFFF20];
	v2 =	vadd.f32 v2, v23  }
0x91: {  	v4 =	vadd.s32 $0x6, v4;
	v15 =	vmul.bf16 v16, v15;
	v21 =	vld [tilespmem:s19+$0xFFFFFF20];
	v23 =	vmul.bf16 v18, v17  }
0x92: {  	v5 =	vshll.u32 v5, v0;
	v8 =	vbroadcast v8, $0x0;
	v24 =	vmul.f32 $1.442695020e+00, v3;
	v17 =	vld [tilespmem:s21+$0xFFFFFF30];
	(xrf2) =	vadd.scan.msk.f32 $0xffff, v2;
	v18 =	vpop (erf)  }
0x93: {  	v6 =	vbroadcast v6, $0x0;
	v14 =	vadd.bf16 v14, v20;
	v22 =	vld [tilespmem:s19+$0xFFFFFF30];
	v20 =	vadd.bf16 v23, v15;
	v16 =	vpop (erf)  }
0x94: {  	v18 =	vadd.f32 $1.000000000e+00, v18;
	v2 =	vmul.bf16 v19, v12;
	v12 =	vld [tilespmem:s21+$0xFFFFFF40];
	(erf) = vpow2.f32 v24;
	v3, _, _ =	vpop (xrf2)  }
0x95: {  	v7 =	vbroadcast v7, $0x0;
	v19 =	vld [tilespmem:s19+$0xFFFFFF40];
	v14 =	vadd.bf16 v20, v14;
	v3 =	vsub.f32 $0.0e+00, v3;
	(xrf2) =	vadd.scan.msk.f32 $0xffff, v11  }
0x96: {  	v9 =	vbroadcast v9, $0x0;
	v11 =	vmul.bf16 v21, v13;
	v13 =	vld [tilespmem:s21+$0xFFFFFF50];
	v15 =	vpop (erf)  }
0x97: {  	v20 =	vld [tilespmem:s19+$0xFFFFFF50];
	v21 =	vunpack.i.u.bf16.f32 v14;
	v14 =	vunpack.i.l.bf16.f32 v14;
	v3 =	vmul.f32 $1.442695020e+00, v3  }
0x98: {  	v17 =	vmul.bf16 v22, v17;
	v22 =	vld [tilespmem:s21+$0xFFFFFF60];
	v14 =	vadd.f32 v14, v21;
	[tilespmem:v8+s25+$0x0] =	vst.idx.msk vm0, v16;
	(erf) = vrcp.f32 v18  }
0x99: {  	v8 =	vld [tilespmem:s19+$0xFFFFFF60];
	[tilespmem:v6+s25+$0x0] =	vst.idx.msk vm0, v15;
	v6 =	vbroadcast v10, $0x0;
	(erf) = vpow2.f32 v3  }
0x9a: {  	v4 =	vbroadcast v4, $0x0;
	v3 =	vadd.bf16 v17, v11;
	v10 =	vmul.bf16 v19, v12;
	v11 =	vld [tilespmem:s21+$0xFFFFFF70];
	(xrf2) =	vadd.scan.msk.f32 $0xffff, v14  }
0x9b: {  	v5 =	vbroadcast v5, $0x0;
	v12 =	vld [tilespmem:s19+$0xFFFFFF70]  }
0x9c: {  	v13 =	vmul.bf16 v20, v13;
	v14 =	vld [tilespmem:s21+$0xFFFFFF80];
	v15, _, _ =	vpop (xrf2)  }
0x9d: {  	v16 =	vld [tilespmem:s19+$0xFFFFFF80];
	v15 =	vsub.f32 $0.0e+00, v15;
	v17 =	vpop (erf)  }
0x9e: {  	v8 =	vmul.bf16 v8, v22;
	v10 =	vadd.bf16 v13, v10;
	v13 =	vld [tilespmem:s21+$0xFFFFFF90];
	v17 =	vadd.f32 $1.000000000e+00, v17  }
0x9f: {  	v18 =	vld [tilespmem:s19+$0xFFFFFF90];
	v20 =	vmul.f32 $1.442695020e+00, v15;
	v19, _, _ =	vpop (xrf2)  }
0xa0: {  	v11 =	vmul.bf16 v12, v11;
	v12 =	vld [tilespmem:s21+$0xFFFFFFA0];
	v19 =	vsub.f32 $0.0e+00, v19;
	(erf) = vrcp.f32 v17  }
0xa1: {  	v17 =	vld [tilespmem:s19+$0xFFFFFFA0];
	(erf) = vpow2.f32 v20;
	v15 =	vpop (erf)  }
0xa2: {  	v8 =	vadd.bf16 v11, v8;
	v11 =	vmul.bf16 v16, v14;
	v14 =	vld [tilespmem:s21+$0xFFFFFFB0];
	[tilespmem:v7+s25+$0x0] =	vst.idx.msk vm0, v15;
	v7 =	vmul.f32 $1.442695020e+00, v19;
	v15 =	vpop (erf)  }
0xa3: {  	v16 =	vld [tilespmem:s19+$0xFFFFFFB0];
	v15 =	vadd.f32 $1.000000000e+00, v15  }
0xa4: {  	v8 =	vadd.bf16 v8, v10;
	v10 =	vmul.bf16 v18, v13;
	v13 =	vld [tilespmem:s21+$0xFFFFFFC0];
	v18, _, _ =	vpop (xrf2);
	(erf) = vpow2.f32 v7  }
0xa5: {  	v7 =	vld [tilespmem:s19+$0xFFFFFFC0];
	v18 =	vsub.f32 $0.0e+00, v18;
	(erf) = vrcp.f32 v15  }
0xa6: {  	v15 =	vunpack.i.u.bf16.f32 v8;
	v12 =	vmul.bf16 v17, v12;
	v10 =	vadd.bf16 v10, v11;
	v11 =	vld [tilespmem:s21+$0xFFFFFFD0]  }
0xa7: {  	v8 =	vunpack.i.l.bf16.f32 v8;
	v17 =	vld [tilespmem:s19+$0xFFFFFFD0];
	v19 =	vmul.f32 $1.442695020e+00, v18  }
0xa8: {  	v20 =	vadd.f32 v8, v15;
	v14 =	vmul.bf16 v16, v14;
	v15 =	vld [tilespmem:s21+$0xFFFFFFE0]  }
0xa9: {  	v16 =	vld [tilespmem:s19+$0xFFFFFFE0];
	(erf) = vpow2.f32 v19;
	v18 =	vpop (erf)  }
0xaa: {  	v12 =	vadd.bf16 v14, v12;
	v7 =	vmul.bf16 v7, v13;
	v13 =	vld [tilespmem:s21+$0xFFFFFFF0];
	(xrf2) =	vadd.scan.msk.f32 $0xffff, v20;
	[tilespmem:v9+s25+$0x0] =	vst.idx.msk vm0, v18;
	v8 =	vpop (erf)  }
0xab: {  	v9 =	vld [tilespmem:s19+$0xFFFFFFF0];
	v18 =	vadd.f32 $1.000000000e+00, v8  }
0xac: {  	v10 =	vadd.bf16 v12, v10;
	v11 =	vmul.bf16 v17, v11;
	v12 =	vld [tilespmem:s21+$0x0]  }
0xad: {  	v14 =	vld [tilespmem:s19+$0x0];
	(erf) = vrcp.f32 v18;
	v8 =	vpop (erf)  }
0xae: {  	v17 =	vunpack.i.u.bf16.f32 v10;
	v15 =	vmul.bf16 v16, v15;
	v7 =	vadd.bf16 v11, v7;
	v11 =	vld [tilespmem:s21+$0x10];
	v16 =	vpop (erf)  }
0xaf: {  	v10 =	vunpack.i.l.bf16.f32 v10;
	v18 =	vld [tilespmem:s19+$0x10];
	[tilespmem:v6+s25+$0x0] =	vst.idx.msk vm0, v16;
	v6 =	vadd.f32 $1.000000000e+00, v8  }
0xb0: {  	v16 =	vadd.f32 v10, v17;
	v9 =	vmul.bf16 v9, v13;
	v10 =	vld [tilespmem:s21+$0x20]  }
0xb1: {  	v13 =	vld [tilespmem:s19+$0x20];
	(erf) = vrcp.f32 v6  }
0xb2: {  	v6 =	vadd.bf16 v9, v15;
	v9 =	vmul.bf16 v14, v12;
	v12 =	vld [tilespmem:s21+$0x30];
	(xrf2) =	vadd.scan.msk.f32 $0xffff, v16;
	v8 =	vpop (erf)  }
0xb3: {  	s23 =	sadd.s32 s22, s31;
	v14 =	vld [tilespmem:s19+$0x30];
	v8 =	vadd.f32 $1.000000000e+00, v8  }
0xb4: {  	s13 =	sadd.s32 $0x9, s23;
	s3 =	sadd.s32 $0xA, s23;
	s22 =	sadd.s32 $0xF, s23;
	v6 =	vadd.bf16 v6, v7;
	v7 =	vmul.bf16 v18, v11;
	v11 =	vld [tilespmem:s21+$0x40];
	v15, _, _ =	vpop (xrf2)  }
0xb5: {  	s5 =	sadd.s32 $0xB, s23;
	s6 =	sadd.s32 $0xC, s23;
	s7 =	sadd.s32 $0xD, s23;
	v17 =	vmov s22;
	v15 =	vsub.f32 $0.0e+00, v15;
	v16 =	vld [tilespmem:s19+$0x40];
	(erf) = vrcp.f32 v8  }
0xb6: {  	s22 =	sadd.s32 $0x8, s23;
	s23 =	sadd.s32 $0xE, s23;
	v8 =	vmul.bf16 v13, v10;
	v7 =	vadd.bf16 v7, v9;
	v9 =	vld [tilespmem:s21+$0x50];
	v10 =	vshrl.u32 v17, $0x3;
	v13 =	vpop (erf)  }
0xb7: {  	v17 =	vunpack.i.u.bf16.f32 v6;
	v6 =	vunpack.i.l.bf16.f32 v6;
	v18 =	vld [tilespmem:s19+$0x50];
	v10 =	vshll.u32 v10, v0;
	[tilespmem:v5+s25+$0x0] =	vst.idx.msk vm0, v13  }
0xb8: {  	v19 =	vadd.f32 v6, v17;
	v6 =	vmul.bf16 v14, v12;
	v12 =	vld [tilespmem:s21+$0x60];
	v10 =	vadd.s32 $0x7, v10  }
0xb9: {  	v13 =	vmul.f32 $1.442695020e+00, v15;
	v14 =	vmov s13;
	v15 =	vld [tilespmem:s19+$0x60];
	v10 =	vbroadcast v10, $0x0  }
0xba: {  	v17 =	vmov s3;
	v6 =	vadd.bf16 v6, v8;
	v8 =	vmul.bf16 v16, v11;
	v11 =	vld [tilespmem:s21+$0x70];
	(xrf2) =	vadd.scan.msk.f32 $0xffff, v19;
	v5 =	vpop (erf)  }
0xbb: {  	v21 =	vmov s7;
	v16 =	vmov s5;
	v19 =	vmov s6;
	v20 =	vld [tilespmem:s19+$0x70]  }
0xbc: {  	v6 =	vadd.bf16 v6, v7;
	v26 =	vmul.bf16 v18, v9;
	v18 =	vld [tilespmem:s21+$0x80];
	(erf) = vpow2.f32 v13;
	v9, _, _ =	vpop (xrf2);
	[tilespmem:v4+s25+$0x0] =	vst.idx.msk vm0, v5  }
0xbd: {  	v23 =	vmov s23;
	v22 =	vshrl.u32 v14, $0x3;
	v4 =	vsub.f32 $0.0e+00, v9;
	v5 =	vld [tilespmem:s19+$0x80]  }
0xbe: {  	v9 =	vunpack.i.u.bf16.f32 v6;
	v12 =	vmul.bf16 v15, v12;
	v24 =	vadd.bf16 v26, v8;
	v25 =	vld [tilespmem:s21+$0x90];
	v7 =	vpop (erf)  }
0xbf: {  	v15 =	vshrl.u32 v17, $0x3;
	v6 =	vunpack.i.l.bf16.f32 v6;
	v4 =	vmul.f32 $1.442695020e+00, v4;
	v26 =	vld [tilespmem:s19+$0x90];
	[tilespmem:v10+s25+$0x0] =	vst.idx.msk vm0, v7  }
.Ltmp4:
0xc0: {  	v7 =	vshrl.u32 v16, $0x3;
	v6 =	vadd.f32 v6, v9;
	v8 =	vmul.bf16 v20, v11;
	v11 =	vld [tilespmem:s21+$0xA0];
	(pc) =	sbr.rel @p2 .LBB2_3-.Ltmp4, $4  }
0xc1: {  	v9 =	vshrl.u32 v19, $0x3;
	v10 =	vshrl.u32 v21, $0x3;
	v13 =	vld [tilespmem:s19+$0xA0];
	(erf) = vpow2.f32 v4  }
0xc2: {  	v4 =	vshrl.u32 v23, $0x3;
	v17 =	vadd.bf16 v8, v12;
	v14 =	vmul.bf16 v5, v18;
	v12 =	vld [tilespmem:s21+$0xB0];
	(xrf2) =	vadd.scan.msk.f32 $0xffff, v6  }
0xc3: {  	v5 =	vmov s22;
	v8 =	vshll.u32 v22, v0;
	v6 =	vshll.u32 v15, v0;
	v15 =	vld [tilespmem:s19+$0xB0]  }
0xc4: {  	v7 =	vshll.u32 v7, v0;
	v16 =	vld [tilespmem:s21+$0xFFFFFF00];
	v17 =	vadd.bf16 v17, v24;
	v18 =	vmul.bf16 v26, v25;
	s21 =	sadd.s32 $0x200, s21;
	v19, _, _ =	vpop (xrf2)  }
0xc5: {  	_ =	sdelay $0x3  }
0xc6: {  	v49 =	vsub.f32 $0.0e+00, v19;
	v1 =	vmul.bf16 v1, v16  }
0xc7: {  	v50 =	vunpack.i.u.bf16.f32 v17;
	v11 =	vmul.bf16 v13, v11;
	v12 =	vmul.bf16 v15, v12  }
0xc8: {  	v51 =	vunpack.i.l.bf16.f32 v17;
	v14 =	vadd.bf16 v18, v14;
	v1 =	vadd.bf16 v2, v1  }
0xc9: {  	v13 =	vadd.f32 v51, v50;
	v11 =	vadd.bf16 v12, v11  }
0xca: {  	v2 =	vpop (erf);
	v1 =	vadd.bf16 v3, v1  }
0xcb: {  	(xrf2) =	vadd.scan.msk.f32 $0xffff, v13;
	v52 =	vpop (erf);
	v2 =	vadd.f32 $1.000000000e+00, v2;
	v11 =	vadd.bf16 v11, v14;
	v3 =	vmul.f32 $1.442695020e+00, v49  }
0xcc: {  	v53, _, _ =	vpop (xrf2);
	v12 =	vadd.f32 $1.000000000e+00, v52;
	v54 =	vunpack.i.u.bf16.f32 v1;
	v1 =	vunpack.i.l.bf16.f32 v1  }
0xcd: {  	(erf) = vpow2.f32 v3;
	v3 =	vsub.f32 $0.0e+00, v53;
	v1 =	vadd.f32 v1, v54  }
0xce: {  	(erf) = vrcp.f32 v2;
	v2 =	vunpack.i.u.bf16.f32 v11;
	v11 =	vunpack.i.l.bf16.f32 v11  }
0xcf: {  	(erf) = vrcp.f32 v12;
	v2 =	vadd.f32 v11, v2;
	v3 =	vmul.f32 $1.442695020e+00, v3;
	(xrf2) =	vadd.scan.msk.f32 $0xffff, v1;
	_ =	sdelay $0x1  }
0xd0: {  	(erf) = vpow2.f32 v3;
	(xrf2) =	vadd.scan.msk.f32 $0xffff, v2;
	_ =	sdelay $0x3  }
0xd1: {  	v1, _, _ =	vpop (xrf2)  }
0xd2: {  	v2 =	vpop (erf)  }
0xd3: {  	v3 =	vpop (erf)  }
0xd4: {  	v55 =	vpop (erf)  }
0xd5: {  	v1 =	vsub.f32 $0.0e+00, v1;
	v56, _, _ =	vpop (xrf2)  }
0xd6: {  	v2 =	vadd.f32 $1.000000000e+00, v2;
	v57 =	vpop (erf)  }
0xd7: {  	v1 =	vmul.f32 $1.442695020e+00, v1;
	v12 =	vsub.f32 $0.0e+00, v56;
	v58, _, _ =	vpop (xrf2)  }
0xd8: {  	(erf) = vrcp.f32 v2;
	v2 =	vadd.f32 $1.000000000e+00, v57;
	v59 =	vsub.f32 $0.0e+00, v58  }
0xd9: {  	(erf) = vpow2.f32 v1;
	v1 =	vmul.f32 $1.442695020e+00, v12  }
0xda: {  	(erf) = vrcp.f32 v2;
	v2 =	vmul.f32 $1.442695020e+00, v59  }
0xdb: {  	(erf) = vpow2.f32 v1  }
0xdc: {  	(erf) = vpow2.f32 v2;
	_ =	sdelay $0x4  }
0xdd: {  	v1 =	vpop (erf)  }
0xde: {  	v2 =	vpop (erf)  }
0xdf: {  	v60 =	vpop (erf)  }
0xe0: {  	v9 =	vshll.u32 v9, v0;
	v10 =	vshll.u32 v10, v0;
	v2 =	vadd.f32 $1.000000000e+00, v2;
	v61 =	vpop (erf)  }
0xe1: {  	v8 =	vadd.s32 $0x1, v8;
	v6 =	vadd.s32 $0x2, v6;
	v13 =	vadd.f32 $1.000000000e+00, v61;
	v62 =	vpop (erf)  }
0xe2: {  	v8 =	vbroadcast v8, $0x0;
	(erf) = vrcp.f32 v2;
	v2 =	vadd.f32 $1.000000000e+00, v62  }
0xe3: {  	v7 =	vadd.s32 $0x3, v7;
	v6 =	vbroadcast v6, $0x0;
	(erf) = vrcp.f32 v13  }
0xe4: {  	v9 =	vadd.s32 $0x4, v9;
	v7 =	vbroadcast v7, $0x0;
	(erf) = vrcp.f32 v2  }
0xe5: {  	v63 =	vadd.s32 $0x5, v10;
	v9 =	vbroadcast v9, $0x0;
	v2 =	vshrl.u32 v5, $0x3  }
0xe6: {  	v4 =	vshll.u32 v4, v0;
	v5 =	vbroadcast v63, $0x0;
	v2 =	vshll.u32 v2, v0  }
0xe7: {  	v4 =	vadd.s32 $0x6, v4;
	v2 =	vbroadcast v2, $0x0  }
0xe8: {  	s3 =	sor.u32 $0x1, s18;
	[tilespmem:v8+s25+$0x0] =	vst.idx.msk vm0, v3;
	v3 =	vbroadcast v4, $0x0  }
0xe9: {  	p2 =	sgt.u32 s3, $0x7C;
	[tilespmem:v6+s25+$0x0] =	vst.idx.msk vm0, v55  }
.Ltmp5:
0xea: {  	[tilespmem:v7+s25+$0x0] =	vst.idx.msk vm0, v1;
	(pc) =	sbr.rel @p2 .LBB2_8-.Ltmp5, $4  }
0xeb: {  	[tilespmem:v9+s25+$0x0] =	vst.idx.msk vm0, v60;
	v1 =	vpop (erf)  }
0xec: {  	[tilespmem:v5+s25+$0x0] =	vst.idx.msk vm0, v1;
	v1 =	vpop (erf)  }
0xed: {  	[tilespmem:v2+s25+$0x0] =	vst.idx.msk vm0, v1;
	v1 =	vpop (erf)  }
0xee: {  	[tilespmem:v3+s25+$0x0] =	vst.idx.msk vm0, v1  }
0xef: {  	_ =	swait.ge [sflag:s26], $0x1400  }
0xf0: {  	[sflag:s26] =	ssyncset.done $0x0  }
0xf1: {  	[sflag:s26] =	ssyncadd.s32 $0xFFFFEC00  }
0xf2: {  	_ =	swait.ge [sflag:s26], $0x1400  }
0xf3: {  	[sflag:s26] =	ssyncset.done $0x0  }
0xf4: {  	s3 =	sadd.s32 $0x140, s17;
	[sflag:s26] =	ssyncadd.s32 $0xFFFFEC00  }
0xf5: {  	[tilespmem:s15], [sflag:$0x1] =	stream.indirect.gather [spmem:s1], $0x40, s3, s14, $0xb8;
	[tilespmem:$0x1B170] =	vst v63  }
0xf6: {  	s6 =	sadd.s32 $0x2850, s17;
	s21 =	simm.s32 $0x6410  }
0xf7: {  	[tilespmem:s16], [sflag:$0x1] =	stream.indirect.gather [spmem:s1], $0x40, s6, s14, $0xb8;
	[tilespmem:$0x1B170] =	vst v63  }
0xf8: {  	s19 =	simm.s32 $0xB410;
	v2 =	vld [tilespmem:s21+$0xFFFFFFD0]  }
0xf9: {  	v3 =	vld [tilespmem:s19+$0xFFFFFFD0]  }
0xfa: {  	v4 =	vld [tilespmem:s21+$0xFFFFFFE0]  }
0xfb: {  	v5 =	vld [tilespmem:s19+$0xFFFFFFE0]  }
0xfc: {  	v6 =	vld [tilespmem:s21+$0xFFFFFFF0]  }
0xfd: {  	v7 =	vld [tilespmem:s19+$0xFFFFFFF0]  }
0xfe: {  	v8 =	vld [tilespmem:s21+$0x0]  }
0xff: {  	v9 =	vld [tilespmem:s19+$0x0]  }
0x100: {  	v1 =	vld [tilespmem:s19+$0xFFFFFE10]  }
0x101: {  	v12 =	vld [tilespmem:s21+$0xFFFFFE30]  }
0x102: {  	v14 =	vld [tilespmem:s21+$0xFFFFFE70]  }
0x103: {  	v15 =	vld [tilespmem:s21+$0xFFFFFE80]  }
0x104: {  	v16 =	vld [tilespmem:s21+$0xFFFFFE90];
	v2 =	vmul.bf16 v3, v2;
	v3 =	vmul.bf16 v5, v4  }
0x105: {  	v17 =	vld [tilespmem:s19+$0xFFFFFE90];
	v5 =	vmul.bf16 v7, v6;
	v6 =	vmul.bf16 v9, v8  }
0x106: {  	v18 =	vld [tilespmem:s21+$0xFFFFFEA0]  }
0x107: {  	v19 =	vld [tilespmem:s19+$0xFFFFFEA0];
	v2 =	vadd.bf16 v3, v2;
	v3 =	vadd.bf16 v6, v5  }
0x108: {  	v21 =	vld [tilespmem:s19+$0xFFFFFEE0]  }
0x109: {  	v9 =	vld [tilespmem:s19+$0xFFFFFE60];
	v2 =	vadd.bf16 v3, v2  }
0x10a: {  	v5 =	vld [tilespmem:s21+$0xFFFFFE50]  }
0x10b: {  	v6 =	vld [tilespmem:s19+$0xFFFFFE50];
	v13 =	vunpack.i.u.bf16.f32 v2;
	v2 =	vunpack.i.l.bf16.f32 v2  }
0x10c: {  	v3 =	vld [tilespmem:s21+$0xFFFFFE60];
	v2 =	vadd.f32 v2, v13  }
0x10d: {  	v4 =	vld [tilespmem:s19+$0xFFFFFE30]  }
0x10e: {  	v13 =	vld [tilespmem:s19+$0xFFFFFE70];
	(xrf2) =	vadd.scan.msk.f32 $0xffff, v2  }
0x10f: {  	v2 =	vld [tilespmem:s19+$0xFFFFFE80]  }
0x110: {  	v7 =	vld [tilespmem:s21+$0xFFFFFE40]  }
0x111: {  	v8 =	vld [tilespmem:s19+$0xFFFFFE40];
	v5 =	vmul.bf16 v6, v5;
	v3 =	vmul.bf16 v9, v3  }
0x112: {  	v6 =	vld [tilespmem:s21+$0xFFFFFEB0]  }
0x113: {  	v3 =	vadd.bf16 v3, v5;
	v5 =	vld [tilespmem:s19+$0xFFFFFEC0]  }
0x114: {  	v9 =	vmul.bf16 v13, v14;
	v13 =	vld [tilespmem:s19+$0xFFFFFEB0];
	v2 =	vmul.bf16 v2, v15  }
0x115: {  	v14 =	vld [tilespmem:s21+$0xFFFFFEC0]  }
0x116: {  	v16 =	vmul.bf16 v17, v16;
	v17 =	vld [tilespmem:s21+$0xFFFFFEE0];
	v2 =	vadd.bf16 v2, v9  }
0x117: {  	v18 =	vmul.bf16 v19, v18;
	v19 =	vld [tilespmem:s19+$0xFFFFFF20]  }
0x118: {  	v9 =	vld [tilespmem:s21+$0xFFFFFED0];
	v2 =	vadd.bf16 v2, v3;
	v15, _, _ =	vpop (xrf2)  }
0x119: {  	v6 =	vmul.bf16 v13, v6;
	v3 =	vld [tilespmem:s19+$0xFFFFFED0];
	v15 =	vsub.f32 $0.0e+00, v15  }
0x11a: {  	v13 =	vld [tilespmem:s21+$0xFFFFFEF0];
	v5 =	vmul.bf16 v5, v14;
	v20 =	vunpack.i.u.bf16.f32 v2;
	v2 =	vunpack.i.l.bf16.f32 v2  }
0x11b: {  	v14 =	vld [tilespmem:s19+$0xFFFFFEF0];
	v2 =	vadd.f32 v2, v20;
	v15 =	vmul.f32 $1.442695020e+00, v15  }
0x11c: {  	v5 =	vadd.bf16 v5, v6;
	v6 =	vld [tilespmem:s19+$0xFFFFFF00]  }
0x11d: {  	(xrf2) =	vadd.scan.msk.f32 $0xffff, v2;
	v2 =	vadd.bf16 v18, v16;
	v16 =	vld [tilespmem:s21+$0xFFFFFF10];
	(erf) = vpow2.f32 v15  }
0x11e: {  	v3 =	vmul.bf16 v3, v9;
	v9 =	vld [tilespmem:s21+$0xFFFFFF20]  }
0x11f: {  	v15 =	vld [tilespmem:s21+$0xFFFFFF00]  }
0x120: {  	v2 =	vadd.bf16 v5, v2;
	v5 =	vld [tilespmem:s19+$0xFFFFFF10]  }
0x121: {  	v10 =	vld [tilespmem:s21+$0xFFFFFE20]  }
0x122: {  	v11 =	vld [tilespmem:s19+$0xFFFFFE20];
	v17 =	vmul.bf16 v21, v17;
	v18 =	vunpack.i.u.bf16.f32 v2;
	v2 =	vunpack.i.l.bf16.f32 v2  }
0x123: {  	v4 =	vmul.bf16 v4, v12;
	v7 =	vmul.bf16 v8, v7;
	v8 =	vld [tilespmem:s19+$0xFFFFFF30];
	v2 =	vadd.f32 v2, v18  }
0x124: {  	v13 =	vmul.bf16 v14, v13;
	v14 =	vld [tilespmem:s21+$0xFFFFFF30];
	v12 =	vadd.bf16 v17, v3;
	v6 =	vmul.bf16 v6, v15  }
0x125: {  	v3 =	vadd.bf16 v7, v4;
	v4 =	vld [tilespmem:s19+$0xFFFFFF40];
	v9 =	vmul.bf16 v19, v9;
	(xrf2) =	vadd.scan.msk.f32 $0xffff, v2;
	v5 =	vmul.bf16 v5, v16  }
0x126: {  	s20 =	sadd.s32 $0xFFFFFFF8, s31;
	v6 =	vadd.bf16 v6, v13;
	v13 =	vld [tilespmem:s21+$0xFFFFFF40];
	v15 =	vpop (erf)  }
0x127: {  	s7 =	sadd.s32 $0x5F, s20;
	v2 =	vmul.bf16 v11, v10;
	v10 =	vld [tilespmem:s21+$0xFFFFFF50];
	v5 =	vadd.bf16 v9, v5;
	v11, _, _ =	vpop (xrf2);
	v7 =	vadd.f32 $1.000000000e+00, v15  }
0x128: {  	v16 =	vld [tilespmem:s19+$0xFFFFFF70];
	v6 =	vadd.bf16 v6, v12;
	v11 =	vsub.f32 $0.0e+00, v11;
	v15 =	vmov s7  }
0x129: {  	v12 =	vld [tilespmem:s19+$0xFFFFFF50];
	v9 =	vshrl.u32 v15, $0x3;
	(erf) = vrcp.f32 v7;
	v7 =	vmul.bf16 v8, v14  }
0x12a: {  	v15 =	vld [tilespmem:s19+$0xFFFFFF60];
	v14 =	vunpack.i.u.bf16.f32 v6;
	v6 =	vunpack.i.l.bf16.f32 v6;
	v9 =	vshll.u32 v9, v0  }
0x12b: {  	s22 =	sadd.s32 $0x5E, s20;
	s7 =	sadd.s32 $0x5D, s20;
	v8 =	vld [tilespmem:s21+$0xFFFFFF60];
	v4 =	vmul.bf16 v4, v13;
	v11 =	vmul.f32 $1.442695020e+00, v11;
	v6 =	vadd.f32 v6, v14  }
0x12c: {  	s8 =	sadd.s32 $0x59, s20;
	v20 =	vmov s22;
	v19 =	vmov s7;
	v13 =	vld [tilespmem:s21+$0xFFFFFF70];
	v9 =	vadd.s32 $0x7, v9  }
0x12d: {  	s5 =	sadd.s32 $0x5A, s20;
	s6 =	sadd.s32 $0x5C, s20;
	v18 =	vld [tilespmem:s19+$0xFFFFFF80];
	v14 =	vmov s8;
	v17 =	vbroadcast v9, $0x0;
	v4 =	vadd.bf16 v4, v7;
	(xrf2) =	vadd.scan.msk.f32 $0xffff, v6  }
0x12e: {  	s13 =	sadd.s32 $0x5B, s20;
	v9 =	vmov s5;
	v7 =	vmul.bf16 v12, v10;
	v10 =	vld [tilespmem:s21+$0xFFFFFF80];
	v12 =	vmov s6  }
0x12f: {  	v23 =	vld [tilespmem:s21+$0xFFFFFFA0];
	(erf) = vpow2.f32 v11;
	v6 =	vmov s13;
	v4 =	vadd.bf16 v4, v5;
	v11, _, _ =	vpop (xrf2)  }
0x130: {  	v6 =	vshrl.u32 v6, $0x3;
	v5 =	vmul.bf16 v15, v8;
	v8 =	vld [tilespmem:s21+$0xFFFFFF90];
	v11 =	vsub.f32 $0.0e+00, v11  }
0x131: {  	v15 =	vshrl.u32 v14, $0x3;
	v14 =	vld [tilespmem:s19+$0xFFFFFF90];
	v16 =	vmul.bf16 v16, v13;
	v63 =	vunpack.i.u.bf16.f32 v4  }
0x132: {  	v24 =	vld [tilespmem:s19+$0xFFFFFFA0];
	v4 =	vunpack.i.l.bf16.f32 v4;
	v22 =	vadd.bf16 v5, v7;
	v5 =	vmul.f32 $1.442695020e+00, v11  }
0x133: {  	v13 =	vld [tilespmem:s19+$0xFFFFFFB0];
	v6 =	vshll.u32 v6, v0;
	v21 =	vadd.f32 v4, v63;
	v4 =	vmul.bf16 v18, v10  }
0x134: {  	v7 =	vshrl.u32 v9, $0x3;
	v11 =	vld [tilespmem:s21+$0xFFFFFFB0];
	v9 =	vshrl.u32 v12, $0x3;
	(erf) = vpow2.f32 v5  }
0x135: {  	v10 =	vshrl.u32 v19, $0x3;
	v12 =	vld [tilespmem:s21+$0xFFFFFFC0];
	v7 =	vshll.u32 v7, v0;
	v18 =	vadd.bf16 v4, v16;
	(xrf2) =	vadd.scan.msk.f32 $0xffff, v21  }
0x136: {  	s23 =	sadd.s32 $0x58, s20;
	v4 =	vshrl.u32 v20, $0x3;
	v14 =	vmul.bf16 v14, v8;
	v8 =	vshll.u32 v15, v0;
	v15 =	vld [tilespmem:s19+$0xFFFFFFC0];
	v5 =	vpop (erf)  }
0x137: {  	s20 =	simm.s32 $0x0;
	v16 =	vld [tilespmem:s21+$0xFFFFFE10];
	s21 =	simm.s32 $0x6610;
	[tilespmem:v17+s25+$0x0] =	vst.idx.msk vm0, v5;
	v5 =	vmov s23;
	v17 =	vadd.bf16 v18, v22;
	v18 =	vmul.bf16 v24, v23;
	v19, _, _ =	vpop (xrf2)  }
.LBB2_6:
0x138: {  	v20 =	vld [tilespmem:s21+$0xFFFFFFD0];
	v19 =	vsub.f32 $0.0e+00, v19;
	v9 =	vshll.u32 v9, v0;
	v10 =	vshll.u32 v10, v0;
	s19 =	sadd.s32 $0x200, s19;
	v21 =	vpop (erf);
	s22 =	smov.u32 s20  }
0x139: {  	v22 =	vld [tilespmem:s19+$0xFFFFFFD0];
	v23 =	vunpack.i.u.bf16.f32 v17;
	v11 =	vmul.bf16 v13, v11;
	v13 =	vadd.bf16 v18, v14  }
0x13a: {  	v18 =	vadd.f32 $1.000000000e+00, v21;
	v17 =	vunpack.i.l.bf16.f32 v17;
	v14 =	vld [tilespmem:s21+$0xFFFFFFE0];
	v19 =	vmul.f32 $1.442695020e+00, v19  }
0x13b: {  	v4 =	vshll.u32 v4, v0;
	v17 =	vadd.f32 v17, v23;
	v21 =	vld [tilespmem:s19+$0xFFFFFFE0];
	v23 =	vmul.bf16 v15, v12  }
0x13c: {  	v5 =	vshrl.u32 v5, $0x3;
	v15 =	vld [tilespmem:s21+$0xFFFFFFF0];
	v1 =	vmul.bf16 v1, v16;
	(erf) = vpow2.f32 v19  }
0x13d: {  	v8 =	vadd.s32 $0x1, v8;
	v16 =	vld [tilespmem:s19+$0xFFFFFFF0];
	v11 =	vadd.bf16 v23, v11;
	(erf) = vrcp.f32 v18;
	v12 =	vpop (erf);
	(xrf2) =	vadd.scan.msk.f32 $0xffff, v17  }
0x13e: {  	v7 =	vadd.s32 $0x2, v7;
	v17 =	vld [tilespmem:s21+$0x0];
	v2 =	vadd.bf16 v2, v1;
	v12 =	vadd.f32 $1.000000000e+00, v12  }
0x13f: {  	s20 =	sadd.s32 $0x8, s20;
	v6 =	vadd.s32 $0x3, v6;
	v9 =	vadd.s32 $0x4, v9;
	v18 =	vld [tilespmem:s19+$0x0];
	v11 =	vadd.bf16 v11, v13;
	v13, _, _ =	vpop (xrf2)  }
0x140: {  	p2 =	slt.u32 s20, $0x48;
	v1 =	vld [tilespmem:s19+$0xFFFFFE10];
	v2 =	vadd.bf16 v3, v2;
	v3 =	vsub.f32 $0.0e+00, v13;
	(erf) = vrcp.f32 v12  }
0x141: {  	v10 =	vadd.s32 $0x5, v10;
	v12 =	vld [tilespmem:s21+$0xFFFFFE20];
	v13 =	vunpack.i.u.bf16.f32 v11;
	v11 =	vunpack.i.l.bf16.f32 v11  }
0x142: {  	v19 =	vld [tilespmem:s19+$0xFFFFFE20];
	v23 =	vunpack.i.u.bf16.f32 v2;
	v2 =	vunpack.i.l.bf16.f32 v2;
	v11 =	vadd.f32 v11, v13  }
0x143: {  	v20 =	vmul.bf16 v22, v20;
	v14 =	vmul.bf16 v21, v14;
	v13 =	vld [tilespmem:s21+$0xFFFFFE30];
	v2 =	vadd.f32 v2, v23  }
0x144: {  	v4 =	vadd.s32 $0x6, v4;
	v15 =	vmul.bf16 v16, v15;
	v21 =	vld [tilespmem:s19+$0xFFFFFE30];
	v23 =	vmul.bf16 v18, v17  }
0x145: {  	v5 =	vshll.u32 v5, v0;
	v8 =	vbroadcast v8, $0x0;
	v24 =	vmul.f32 $1.442695020e+00, v3;
	v17 =	vld [tilespmem:s21+$0xFFFFFE40];
	(xrf2) =	vadd.scan.msk.f32 $0xffff, v2;
	v18 =	vpop (erf)  }
0x146: {  	v7 =	vbroadcast v7, $0x0;
	v14 =	vadd.bf16 v14, v20;
	v22 =	vld [tilespmem:s19+$0xFFFFFE40];
	v20 =	vadd.bf16 v23, v15;
	v16 =	vpop (erf)  }
0x147: {  	v18 =	vadd.f32 $1.000000000e+00, v18;
	v2 =	vmul.bf16 v19, v12;
	v12 =	vld [tilespmem:s21+$0xFFFFFE50];
	(erf) = vpow2.f32 v24;
	v3, _, _ =	vpop (xrf2)  }
0x148: {  	v6 =	vbroadcast v6, $0x0;
	v19 =	vld [tilespmem:s19+$0xFFFFFE50];
	v14 =	vadd.bf16 v20, v14;
	v3 =	vsub.f32 $0.0e+00, v3;
	(xrf2) =	vadd.scan.msk.f32 $0xffff, v11  }
0x149: {  	v9 =	vbroadcast v9, $0x0;
	v11 =	vmul.bf16 v21, v13;
	v13 =	vld [tilespmem:s21+$0xFFFFFE60];
	v15 =	vpop (erf)  }
0x14a: {  	v20 =	vld [tilespmem:s19+$0xFFFFFE60];
	v21 =	vunpack.i.u.bf16.f32 v14;
	v14 =	vunpack.i.l.bf16.f32 v14;
	v3 =	vmul.f32 $1.442695020e+00, v3  }
0x14b: {  	v17 =	vmul.bf16 v22, v17;
	v22 =	vld [tilespmem:s21+$0xFFFFFE70];
	v14 =	vadd.f32 v14, v21;
	[tilespmem:v8+s25+$0x0] =	vst.idx.msk vm0, v16;
	(erf) = vrcp.f32 v18  }
0x14c: {  	v8 =	vld [tilespmem:s19+$0xFFFFFE70];
	[tilespmem:v7+s25+$0x0] =	vst.idx.msk vm0, v15;
	v7 =	vbroadcast v10, $0x0;
	(erf) = vpow2.f32 v3  }
0x14d: {  	v4 =	vbroadcast v4, $0x0;
	v3 =	vadd.bf16 v17, v11;
	v10 =	vmul.bf16 v19, v12;
	v11 =	vld [tilespmem:s21+$0xFFFFFE80];
	(xrf2) =	vadd.scan.msk.f32 $0xffff, v14  }
0x14e: {  	v5 =	vbroadcast v5, $0x0;
	v12 =	vld [tilespmem:s19+$0xFFFFFE80]  }
0x14f: {  	v13 =	vmul.bf16 v20, v13;
	v14 =	vld [tilespmem:s21+$0xFFFFFE90];
	v15, _, _ =	vpop (xrf2)  }
0x150: {  	v16 =	vld [tilespmem:s19+$0xFFFFFE90];
	v15 =	vsub.f32 $0.0e+00, v15;
	v17 =	vpop (erf)  }
0x151: {  	v8 =	vmul.bf16 v8, v22;
	v10 =	vadd.bf16 v13, v10;
	v13 =	vld [tilespmem:s21+$0xFFFFFEA0];
	v17 =	vadd.f32 $1.000000000e+00, v17  }
0x152: {  	v18 =	vld [tilespmem:s19+$0xFFFFFEA0];
	v20 =	vmul.f32 $1.442695020e+00, v15;
	v19, _, _ =	vpop (xrf2)  }
0x153: {  	v11 =	vmul.bf16 v12, v11;
	v12 =	vld [tilespmem:s21+$0xFFFFFEB0];
	v19 =	vsub.f32 $0.0e+00, v19;
	(erf) = vrcp.f32 v17  }
0x154: {  	v17 =	vld [tilespmem:s19+$0xFFFFFEB0];
	(erf) = vpow2.f32 v20;
	v15 =	vpop (erf)  }
0x155: {  	v8 =	vadd.bf16 v11, v8;
	v11 =	vmul.bf16 v16, v14;
	v14 =	vld [tilespmem:s21+$0xFFFFFEC0];
	[tilespmem:v6+s25+$0x0] =	vst.idx.msk vm0, v15;
	v6 =	vmul.f32 $1.442695020e+00, v19;
	v15 =	vpop (erf)  }
0x156: {  	v16 =	vld [tilespmem:s19+$0xFFFFFEC0];
	v15 =	vadd.f32 $1.000000000e+00, v15  }
0x157: {  	v8 =	vadd.bf16 v8, v10;
	v10 =	vmul.bf16 v18, v13;
	v13 =	vld [tilespmem:s21+$0xFFFFFED0];
	v18, _, _ =	vpop (xrf2);
	(erf) = vpow2.f32 v6  }
0x158: {  	v6 =	vld [tilespmem:s19+$0xFFFFFED0];
	v18 =	vsub.f32 $0.0e+00, v18;
	(erf) = vrcp.f32 v15  }
0x159: {  	v15 =	vunpack.i.u.bf16.f32 v8;
	v12 =	vmul.bf16 v17, v12;
	v10 =	vadd.bf16 v10, v11;
	v11 =	vld [tilespmem:s21+$0xFFFFFEE0]  }
0x15a: {  	v8 =	vunpack.i.l.bf16.f32 v8;
	v17 =	vld [tilespmem:s19+$0xFFFFFEE0];
	v19 =	vmul.f32 $1.442695020e+00, v18  }
0x15b: {  	v20 =	vadd.f32 v8, v15;
	v14 =	vmul.bf16 v16, v14;
	v15 =	vld [tilespmem:s21+$0xFFFFFEF0]  }
0x15c: {  	v16 =	vld [tilespmem:s19+$0xFFFFFEF0];
	(erf) = vpow2.f32 v19;
	v18 =	vpop (erf)  }
0x15d: {  	v12 =	vadd.bf16 v14, v12;
	v6 =	vmul.bf16 v6, v13;
	v13 =	vld [tilespmem:s21+$0xFFFFFF00];
	(xrf2) =	vadd.scan.msk.f32 $0xffff, v20;
	[tilespmem:v9+s25+$0x0] =	vst.idx.msk vm0, v18;
	v8 =	vpop (erf)  }
0x15e: {  	v9 =	vld [tilespmem:s19+$0xFFFFFF00];
	v18 =	vadd.f32 $1.000000000e+00, v8  }
0x15f: {  	v10 =	vadd.bf16 v12, v10;
	v11 =	vmul.bf16 v17, v11;
	v12 =	vld [tilespmem:s21+$0xFFFFFF10]  }
0x160: {  	v14 =	vld [tilespmem:s19+$0xFFFFFF10];
	(erf) = vrcp.f32 v18;
	v8 =	vpop (erf)  }
0x161: {  	v17 =	vunpack.i.u.bf16.f32 v10;
	v15 =	vmul.bf16 v16, v15;
	v6 =	vadd.bf16 v11, v6;
	v11 =	vld [tilespmem:s21+$0xFFFFFF20];
	v16 =	vpop (erf)  }
0x162: {  	v10 =	vunpack.i.l.bf16.f32 v10;
	v18 =	vld [tilespmem:s19+$0xFFFFFF20];
	[tilespmem:v7+s25+$0x0] =	vst.idx.msk vm0, v16;
	v7 =	vadd.f32 $1.000000000e+00, v8  }
0x163: {  	v16 =	vadd.f32 v10, v17;
	v9 =	vmul.bf16 v9, v13;
	v10 =	vld [tilespmem:s21+$0xFFFFFF30]  }
0x164: {  	v13 =	vld [tilespmem:s19+$0xFFFFFF30];
	(erf) = vrcp.f32 v7  }
0x165: {  	v7 =	vadd.bf16 v9, v15;
	v9 =	vmul.bf16 v14, v12;
	v12 =	vld [tilespmem:s21+$0xFFFFFF40];
	(xrf2) =	vadd.scan.msk.f32 $0xffff, v16;
	v8 =	vpop (erf)  }
0x166: {  	s3 =	sadd.s32 s22, s31;
	v14 =	vld [tilespmem:s19+$0xFFFFFF40];
	v8 =	vadd.f32 $1.000000000e+00, v8  }
0x167: {  	s5 =	sadd.s32 $0x59, s3;
	s6 =	sadd.s32 $0x5A, s3;
	s7 =	sadd.s32 $0x5F, s3;
	v6 =	vadd.bf16 v7, v6;
	v7 =	vmul.bf16 v18, v11;
	v11 =	vld [tilespmem:s21+$0xFFFFFF50];
	v15, _, _ =	vpop (xrf2)  }
0x168: {  	s13 =	sadd.s32 $0x5B, s3;
	s23 =	sadd.s32 $0x5C, s3;
	s8 =	sadd.s32 $0x5D, s3;
	v17 =	vmov s7;
	v15 =	vsub.f32 $0.0e+00, v15;
	v16 =	vld [tilespmem:s19+$0xFFFFFF50];
	(erf) = vrcp.f32 v8  }
0x169: {  	s22 =	sadd.s32 $0x58, s3;
	s3 =	sadd.s32 $0x5E, s3;
	v8 =	vmul.bf16 v13, v10;
	v7 =	vadd.bf16 v7, v9;
	v9 =	vld [tilespmem:s21+$0xFFFFFF60];
	v10 =	vshrl.u32 v17, $0x3;
	v13 =	vpop (erf)  }
0x16a: {  	v17 =	vunpack.i.u.bf16.f32 v6;
	v6 =	vunpack.i.l.bf16.f32 v6;
	v18 =	vld [tilespmem:s19+$0xFFFFFF60];
	v10 =	vshll.u32 v10, v0;
	[tilespmem:v5+s25+$0x0] =	vst.idx.msk vm0, v13  }
0x16b: {  	v19 =	vadd.f32 v6, v17;
	v6 =	vmul.bf16 v14, v12;
	v12 =	vld [tilespmem:s21+$0xFFFFFF70];
	v10 =	vadd.s32 $0x7, v10  }
0x16c: {  	v13 =	vmul.f32 $1.442695020e+00, v15;
	v14 =	vmov s5;
	v15 =	vld [tilespmem:s19+$0xFFFFFF70];
	v10 =	vbroadcast v10, $0x0  }
0x16d: {  	v17 =	vmov s6;
	v6 =	vadd.bf16 v6, v8;
	v8 =	vmul.bf16 v16, v11;
	v11 =	vld [tilespmem:s21+$0xFFFFFF80];
	(xrf2) =	vadd.scan.msk.f32 $0xffff, v19;
	v5 =	vpop (erf)  }
0x16e: {  	v21 =	vmov s8;
	v16 =	vmov s13;
	v19 =	vmov s23;
	v20 =	vld [tilespmem:s19+$0xFFFFFF80]  }
0x16f: {  	v6 =	vadd.bf16 v6, v7;
	v26 =	vmul.bf16 v18, v9;
	v18 =	vld [tilespmem:s21+$0xFFFFFF90];
	(erf) = vpow2.f32 v13;
	v9, _, _ =	vpop (xrf2);
	[tilespmem:v4+s25+$0x0] =	vst.idx.msk vm0, v5  }
0x170: {  	v23 =	vmov s3;
	v22 =	vshrl.u32 v14, $0x3;
	v4 =	vsub.f32 $0.0e+00, v9;
	v5 =	vld [tilespmem:s19+$0xFFFFFF90]  }
0x171: {  	v9 =	vunpack.i.u.bf16.f32 v6;
	v12 =	vmul.bf16 v15, v12;
	v24 =	vadd.bf16 v26, v8;
	v25 =	vld [tilespmem:s21+$0xFFFFFFA0];
	v7 =	vpop (erf)  }
0x172: {  	v15 =	vshrl.u32 v17, $0x3;
	v6 =	vunpack.i.l.bf16.f32 v6;
	v4 =	vmul.f32 $1.442695020e+00, v4;
	v26 =	vld [tilespmem:s19+$0xFFFFFFA0];
	[tilespmem:v10+s25+$0x0] =	vst.idx.msk vm0, v7  }
.Ltmp6:
0x173: {  	v17 =	vshrl.u32 v16, $0x3;
	v6 =	vadd.f32 v6, v9;
	v7 =	vmul.bf16 v20, v11;
	v11 =	vld [tilespmem:s21+$0xFFFFFFB0];
	(pc) =	sbr.rel @p2 .LBB2_6-.Ltmp6, $4  }
0x174: {  	v9 =	vshrl.u32 v19, $0x3;
	v10 =	vshrl.u32 v21, $0x3;
	v13 =	vld [tilespmem:s19+$0xFFFFFFB0];
	(erf) = vpow2.f32 v4  }
0x175: {  	v4 =	vshrl.u32 v23, $0x3;
	v20 =	vadd.bf16 v7, v12;
	v14 =	vmul.bf16 v5, v18;
	v12 =	vld [tilespmem:s21+$0xFFFFFFC0];
	(xrf2) =	vadd.scan.msk.f32 $0xffff, v6  }
0x176: {  	v8 =	vshll.u32 v22, v0;
	v5 =	vmov s22;
	v7 =	vshll.u32 v15, v0;
	v15 =	vld [tilespmem:s19+$0xFFFFFFC0]  }
0x177: {  	v6 =	vshll.u32 v17, v0;
	v16 =	vld [tilespmem:s21+$0xFFFFFE10];
	v17 =	vadd.bf16 v20, v24;
	v18 =	vmul.bf16 v26, v25;
	s21 =	sadd.s32 $0x200, s21;
	v19, _, _ =	vpop (xrf2)  }
0x178: {  	_ =	sdelay $0x3  }
0x179: {  	v49 =	vsub.f32 $0.0e+00, v19;
	v1 =	vmul.bf16 v1, v16  }
0x17a: {  	v50 =	vunpack.i.u.bf16.f32 v17;
	v11 =	vmul.bf16 v13, v11;
	v12 =	vmul.bf16 v15, v12  }
0x17b: {  	v51 =	vunpack.i.l.bf16.f32 v17;
	v14 =	vadd.bf16 v18, v14;
	v1 =	vadd.bf16 v2, v1  }
0x17c: {  	v13 =	vadd.f32 v51, v50;
	v11 =	vadd.bf16 v12, v11  }
0x17d: {  	v2 =	vpop (erf);
	v1 =	vadd.bf16 v3, v1  }
0x17e: {  	(xrf2) =	vadd.scan.msk.f32 $0xffff, v13;
	v52 =	vpop (erf);
	v2 =	vadd.f32 $1.000000000e+00, v2;
	v11 =	vadd.bf16 v11, v14;
	v3 =	vmul.f32 $1.442695020e+00, v49  }
0x17f: {  	v53, _, _ =	vpop (xrf2);
	v12 =	vadd.f32 $1.000000000e+00, v52;
	v54 =	vunpack.i.u.bf16.f32 v1;
	v1 =	vunpack.i.l.bf16.f32 v1  }
0x180: {  	(erf) = vpow2.f32 v3;
	v3 =	vsub.f32 $0.0e+00, v53;
	v1 =	vadd.f32 v1, v54  }
0x181: {  	(erf) = vrcp.f32 v2;
	v2 =	vunpack.i.u.bf16.f32 v11;
	v11 =	vunpack.i.l.bf16.f32 v11  }
0x182: {  	(erf) = vrcp.f32 v12;
	v2 =	vadd.f32 v11, v2;
	v3 =	vmul.f32 $1.442695020e+00, v3;
	(xrf2) =	vadd.scan.msk.f32 $0xffff, v1;
	_ =	sdelay $0x1  }
0x183: {  	(erf) = vpow2.f32 v3;
	(xrf2) =	vadd.scan.msk.f32 $0xffff, v2;
	_ =	sdelay $0x3  }
0x184: {  	v1, _, _ =	vpop (xrf2)  }
0x185: {  	v2 =	vpop (erf)  }
0x186: {  	v3 =	vpop (erf)  }
0x187: {  	v55 =	vpop (erf)  }
0x188: {  	v1 =	vsub.f32 $0.0e+00, v1;
	v56, _, _ =	vpop (xrf2)  }
0x189: {  	v2 =	vadd.f32 $1.000000000e+00, v2;
	v57 =	vpop (erf)  }
0x18a: {  	v1 =	vmul.f32 $1.442695020e+00, v1;
	v12 =	vsub.f32 $0.0e+00, v56;
	v58, _, _ =	vpop (xrf2)  }
0x18b: {  	(erf) = vrcp.f32 v2;
	v2 =	vadd.f32 $1.000000000e+00, v57;
	v59 =	vsub.f32 $0.0e+00, v58  }
0x18c: {  	(erf) = vpow2.f32 v1;
	v1 =	vmul.f32 $1.442695020e+00, v12  }
0x18d: {  	(erf) = vrcp.f32 v2;
	v2 =	vmul.f32 $1.442695020e+00, v59  }
0x18e: {  	(erf) = vpow2.f32 v1  }
0x18f: {  	(erf) = vpow2.f32 v2;
	_ =	sdelay $0x4  }
0x190: {  	v1 =	vpop (erf)  }
0x191: {  	v2 =	vpop (erf)  }
0x192: {  	v60 =	vpop (erf)  }
0x193: {  	v9 =	vshll.u32 v9, v0;
	v10 =	vshll.u32 v10, v0;
	v2 =	vadd.f32 $1.000000000e+00, v2;
	v61 =	vpop (erf)  }
0x194: {  	v8 =	vadd.s32 $0x1, v8;
	v7 =	vadd.s32 $0x2, v7;
	v13 =	vadd.f32 $1.000000000e+00, v61;
	v62 =	vpop (erf)  }
0x195: {  	v8 =	vbroadcast v8, $0x0;
	(erf) = vrcp.f32 v2;
	v2 =	vadd.f32 $1.000000000e+00, v62  }
0x196: {  	v6 =	vadd.s32 $0x3, v6;
	v7 =	vbroadcast v7, $0x0;
	(erf) = vrcp.f32 v13  }
0x197: {  	v9 =	vadd.s32 $0x4, v9;
	v6 =	vbroadcast v6, $0x0;
	(erf) = vrcp.f32 v2  }
0x198: {  	v63 =	vadd.s32 $0x5, v10;
	v9 =	vbroadcast v9, $0x0;
	v2 =	vshrl.u32 v5, $0x3  }
0x199: {  	v4 =	vshll.u32 v4, v0;
	v5 =	vbroadcast v63, $0x0;
	v2 =	vshll.u32 v2, v0  }
0x19a: {  	v4 =	vadd.s32 $0x6, v4;
	v2 =	vbroadcast v2, $0x0  }
0x19b: {  	[tilespmem:v8+s25+$0x0] =	vst.idx.msk vm0, v3;
	v3 =	vbroadcast v4, $0x0  }
0x19c: {  	[tilespmem:v7+s25+$0x0] =	vst.idx.msk vm0, v55  }
0x19d: {  	[tilespmem:v6+s25+$0x0] =	vst.idx.msk vm0, v1  }
0x19e: {  	[tilespmem:v9+s25+$0x0] =	vst.idx.msk vm0, v60;
	v1 =	vpop (erf)  }
0x19f: {  	[tilespmem:v5+s25+$0x0] =	vst.idx.msk vm0, v1;
	v1 =	vpop (erf)  }
0x1a0: {  	[tilespmem:v2+s25+$0x0] =	vst.idx.msk vm0, v1;
	v1 =	vpop (erf)  }
0x1a1: {  	[tilespmem:v3+s25+$0x0] =	vst.idx.msk vm0, v1  }
.LBB2_8:
0x1a2: {  	s3 =	sor.u32 $0x2, s18  }
0x1a3: {  	p2 =	sgt.u32 s3, $0x7C  }
.Ltmp7:
0x1a4: {  	_ = 	snop;
	(pc) =	sbr.rel @p2 .LBB2_12-.Ltmp7, $1  }
0x1a5: {  	_ =	sdelay $0x3  }
0x1a6: {  	_ =	swait.ge [sflag:s28], $0x1400  }
0x1a7: {  	[sflag:s28] =	ssyncset.done $0x0  }
0x1a8: {  	[sflag:s28] =	ssyncadd.s32 $0xFFFFEC00  }
0x1a9: {  	p2 =	sgt.u32 s0, $0x1D;
	_ =	swait.ge [sflag:s28], $0x1400  }
0x1aa: {  	s3 =	sadd.s32 @!p2 $0x190, s17;
	[sflag:s28] =	ssyncset.done $0x0  }
0x1ab: {  	s5 =	simm.s32 @!p2 $0x50;
	s6 =	simm.s32 @!p2 $0x6220;
	[sflag:s28] =	ssyncadd.s32 $0xFFFFEC00  }
0x1ac: {  	[tilespmem:s6], [sflag:$0x2] =	stream.indirect.gather @!p2 [spmem:s1], $0x40, s3, s5, $0xb8;
	[tilespmem:$0x1B170] =	vst v63  }
0x1ad: {  	s20 =	simm.s32 $0x7810;
	s3 =	sadd.s32 @!p2 $0x28A0, s17;
	s6 =	simm.s32 @!p2 $0xB220  }
0x1ae: {  	[tilespmem:s6], [sflag:$0x2] =	stream.indirect.gather @!p2 [spmem:s1], $0x40, s3, s5, $0xb8;
	[tilespmem:$0x1B170] =	vst v63  }
0x1af: {  	s18 =	simm.s32 $0xC810;
	v2 =	vld [tilespmem:s20+$0xFFFFFFD0]  }
0x1b0: {  	v3 =	vld [tilespmem:s18+$0xFFFFFFD0]  }
0x1b1: {  	v4 =	vld [tilespmem:s20+$0xFFFFFFE0]  }
0x1b2: {  	v5 =	vld [tilespmem:s18+$0xFFFFFFE0]  }
0x1b3: {  	v6 =	vld [tilespmem:s20+$0xFFFFFFF0]  }
0x1b4: {  	v7 =	vld [tilespmem:s18+$0xFFFFFFF0]  }
0x1b5: {  	v8 =	vld [tilespmem:s20+$0x0]  }
0x1b6: {  	v9 =	vld [tilespmem:s18+$0x0]  }
0x1b7: {  	v1 =	vld [tilespmem:s18+$0xFFFFFE10]  }
0x1b8: {  	v12 =	vld [tilespmem:s20+$0xFFFFFE30]  }
0x1b9: {  	v14 =	vld [tilespmem:s20+$0xFFFFFE70]  }
0x1ba: {  	v15 =	vld [tilespmem:s20+$0xFFFFFE80]  }
0x1bb: {  	v16 =	vld [tilespmem:s20+$0xFFFFFE90];
	v2 =	vmul.bf16 v3, v2;
	v3 =	vmul.bf16 v5, v4  }
0x1bc: {  	v17 =	vld [tilespmem:s18+$0xFFFFFE90];
	v5 =	vmul.bf16 v7, v6;
	v6 =	vmul.bf16 v9, v8  }
0x1bd: {  	v18 =	vld [tilespmem:s20+$0xFFFFFEA0]  }
0x1be: {  	v19 =	vld [tilespmem:s18+$0xFFFFFEA0];
	v2 =	vadd.bf16 v3, v2;
	v3 =	vadd.bf16 v6, v5  }
0x1bf: {  	v21 =	vld [tilespmem:s18+$0xFFFFFEE0]  }
0x1c0: {  	v9 =	vld [tilespmem:s18+$0xFFFFFE60];
	v2 =	vadd.bf16 v3, v2  }
0x1c1: {  	v5 =	vld [tilespmem:s20+$0xFFFFFE50]  }
0x1c2: {  	v6 =	vld [tilespmem:s18+$0xFFFFFE50];
	v13 =	vunpack.i.u.bf16.f32 v2;
	v2 =	vunpack.i.l.bf16.f32 v2  }
0x1c3: {  	v3 =	vld [tilespmem:s20+$0xFFFFFE60];
	v2 =	vadd.f32 v2, v13  }
0x1c4: {  	v4 =	vld [tilespmem:s18+$0xFFFFFE30]  }
0x1c5: {  	v13 =	vld [tilespmem:s18+$0xFFFFFE70];
	(xrf2) =	vadd.scan.msk.f32 $0xffff, v2  }
0x1c6: {  	v2 =	vld [tilespmem:s18+$0xFFFFFE80]  }
0x1c7: {  	v7 =	vld [tilespmem:s20+$0xFFFFFE40]  }
0x1c8: {  	v8 =	vld [tilespmem:s18+$0xFFFFFE40];
	v5 =	vmul.bf16 v6, v5;
	v3 =	vmul.bf16 v9, v3  }
0x1c9: {  	v6 =	vld [tilespmem:s20+$0xFFFFFEB0]  }
0x1ca: {  	v3 =	vadd.bf16 v3, v5;
	v5 =	vld [tilespmem:s18+$0xFFFFFEC0]  }
0x1cb: {  	v9 =	vmul.bf16 v13, v14;
	v13 =	vld [tilespmem:s18+$0xFFFFFEB0];
	v2 =	vmul.bf16 v2, v15  }
0x1cc: {  	v14 =	vld [tilespmem:s20+$0xFFFFFEC0]  }
0x1cd: {  	v16 =	vmul.bf16 v17, v16;
	v17 =	vld [tilespmem:s20+$0xFFFFFEE0];
	v2 =	vadd.bf16 v2, v9  }
0x1ce: {  	v18 =	vmul.bf16 v19, v18;
	v19 =	vld [tilespmem:s18+$0xFFFFFF20]  }
0x1cf: {  	v9 =	vld [tilespmem:s20+$0xFFFFFED0];
	v2 =	vadd.bf16 v2, v3;
	v15, _, _ =	vpop (xrf2)  }
0x1d0: {  	v6 =	vmul.bf16 v13, v6;
	v3 =	vld [tilespmem:s18+$0xFFFFFED0];
	v15 =	vsub.f32 $0.0e+00, v15  }
0x1d1: {  	v13 =	vld [tilespmem:s20+$0xFFFFFEF0];
	v5 =	vmul.bf16 v5, v14;
	v20 =	vunpack.i.u.bf16.f32 v2;
	v2 =	vunpack.i.l.bf16.f32 v2  }
0x1d2: {  	v14 =	vld [tilespmem:s18+$0xFFFFFEF0];
	v2 =	vadd.f32 v2, v20;
	v15 =	vmul.f32 $1.442695020e+00, v15  }
0x1d3: {  	v5 =	vadd.bf16 v5, v6;
	v6 =	vld [tilespmem:s18+$0xFFFFFF00]  }
0x1d4: {  	(xrf2) =	vadd.scan.msk.f32 $0xffff, v2;
	v2 =	vadd.bf16 v18, v16;
	v16 =	vld [tilespmem:s20+$0xFFFFFF10];
	(erf) = vpow2.f32 v15  }
0x1d5: {  	v3 =	vmul.bf16 v3, v9;
	v9 =	vld [tilespmem:s20+$0xFFFFFF20]  }
0x1d6: {  	v15 =	vld [tilespmem:s20+$0xFFFFFF00]  }
0x1d7: {  	v2 =	vadd.bf16 v5, v2;
	v5 =	vld [tilespmem:s18+$0xFFFFFF10]  }
0x1d8: {  	v10 =	vld [tilespmem:s20+$0xFFFFFE20]  }
0x1d9: {  	v11 =	vld [tilespmem:s18+$0xFFFFFE20];
	v17 =	vmul.bf16 v21, v17;
	v18 =	vunpack.i.u.bf16.f32 v2;
	v2 =	vunpack.i.l.bf16.f32 v2  }
0x1da: {  	v4 =	vmul.bf16 v4, v12;
	v7 =	vmul.bf16 v8, v7;
	v8 =	vld [tilespmem:s18+$0xFFFFFF30];
	v2 =	vadd.f32 v2, v18  }
0x1db: {  	v13 =	vmul.bf16 v14, v13;
	v14 =	vld [tilespmem:s20+$0xFFFFFF30];
	v12 =	vadd.bf16 v17, v3;
	v6 =	vmul.bf16 v6, v15  }
0x1dc: {  	v3 =	vadd.bf16 v7, v4;
	v4 =	vld [tilespmem:s18+$0xFFFFFF40];
	v9 =	vmul.bf16 v19, v9;
	(xrf2) =	vadd.scan.msk.f32 $0xffff, v2;
	v5 =	vmul.bf16 v5, v16  }
0x1dd: {  	s19 =	sadd.s32 $0xFFFFFFF8, s31;
	v6 =	vadd.bf16 v6, v13;
	v13 =	vld [tilespmem:s20+$0xFFFFFF40];
	v15 =	vpop (erf)  }
0x1de: {  	s6 =	sadd.s32 $0xAF, s19;
	v2 =	vmul.bf16 v11, v10;
	v10 =	vld [tilespmem:s20+$0xFFFFFF50];
	v5 =	vadd.bf16 v9, v5;
	v11, _, _ =	vpop (xrf2);
	v7 =	vadd.f32 $1.000000000e+00, v15  }
0x1df: {  	v16 =	vld [tilespmem:s18+$0xFFFFFF70];
	v6 =	vadd.bf16 v6, v12;
	v11 =	vsub.f32 $0.0e+00, v11;
	v15 =	vmov s6  }
0x1e0: {  	v12 =	vld [tilespmem:s18+$0xFFFFFF50];
	v9 =	vshrl.u32 v15, $0x3;
	(erf) = vrcp.f32 v7;
	v7 =	vmul.bf16 v8, v14  }
0x1e1: {  	v15 =	vld [tilespmem:s18+$0xFFFFFF60];
	v14 =	vunpack.i.u.bf16.f32 v6;
	v6 =	vunpack.i.l.bf16.f32 v6;
	v9 =	vshll.u32 v9, v0  }
0x1e2: {  	s7 =	sadd.s32 $0xA9, s19;
	s22 =	sadd.s32 $0xAE, s19;
	v8 =	vld [tilespmem:s20+$0xFFFFFF60];
	v4 =	vmul.bf16 v4, v13;
	v11 =	vmul.f32 $1.442695020e+00, v11;
	v6 =	vadd.f32 v6, v14  }
0x1e3: {  	s8 =	sadd.s32 $0xAA, s19;
	v20 =	vmov s22;
	v13 =	vld [tilespmem:s20+$0xFFFFFF70];
	v9 =	vadd.s32 $0x7, v9;
	v14 =	vmov s7  }
0x1e4: {  	s21 =	sadd.s32 $0xAC, s19;
	v18 =	vld [tilespmem:s18+$0xFFFFFF80];
	s7 =	sadd.s32 $0xAD, s19;
	v17 =	vbroadcast v9, $0x0;
	v9 =	vmov s8;
	v4 =	vadd.bf16 v4, v7;
	(xrf2) =	vadd.scan.msk.f32 $0xffff, v6  }
0x1e5: {  	s13 =	sadd.s32 $0xAB, s19;
	v7 =	vmul.bf16 v12, v10;
	v10 =	vld [tilespmem:s20+$0xFFFFFF80];
	v12 =	vmov s21;
	v19 =	vmov s7  }
0x1e6: {  	v23 =	vld [tilespmem:s20+$0xFFFFFFA0];
	(erf) = vpow2.f32 v11;
	v6 =	vmov s13;
	v4 =	vadd.bf16 v4, v5;
	v11, _, _ =	vpop (xrf2)  }
0x1e7: {  	v6 =	vshrl.u32 v6, $0x3;
	v5 =	vmul.bf16 v15, v8;
	v8 =	vld [tilespmem:s20+$0xFFFFFF90];
	v11 =	vsub.f32 $0.0e+00, v11  }
0x1e8: {  	v15 =	vshrl.u32 v14, $0x3;
	v14 =	vld [tilespmem:s18+$0xFFFFFF90];
	v16 =	vmul.bf16 v16, v13;
	v63 =	vunpack.i.u.bf16.f32 v4  }
0x1e9: {  	v24 =	vld [tilespmem:s18+$0xFFFFFFA0];
	v4 =	vunpack.i.l.bf16.f32 v4;
	v22 =	vadd.bf16 v5, v7;
	v5 =	vmul.f32 $1.442695020e+00, v11  }
0x1ea: {  	v13 =	vld [tilespmem:s18+$0xFFFFFFB0];
	v6 =	vshll.u32 v6, v0;
	v21 =	vadd.f32 v4, v63;
	v4 =	vmul.bf16 v18, v10  }
0x1eb: {  	v7 =	vshrl.u32 v9, $0x3;
	v11 =	vld [tilespmem:s20+$0xFFFFFFB0];
	v9 =	vshrl.u32 v12, $0x3;
	(erf) = vpow2.f32 v5  }
0x1ec: {  	v10 =	vshrl.u32 v19, $0x3;
	v12 =	vld [tilespmem:s20+$0xFFFFFFC0];
	v7 =	vshll.u32 v7, v0;
	v18 =	vadd.bf16 v4, v16;
	(xrf2) =	vadd.scan.msk.f32 $0xffff, v21  }
0x1ed: {  	s23 =	sadd.s32 $0xA8, s19;
	v4 =	vshrl.u32 v20, $0x3;
	v14 =	vmul.bf16 v14, v8;
	v8 =	vshll.u32 v15, v0;
	v15 =	vld [tilespmem:s18+$0xFFFFFFC0];
	v5 =	vpop (erf)  }
0x1ee: {  	s19 =	simm.s32 $0x0;
	v16 =	vld [tilespmem:s20+$0xFFFFFE10];
	s20 =	simm.s32 $0x7A10;
	[tilespmem:v17+s25+$0x0] =	vst.idx.msk vm0, v5;
	v5 =	vmov s23;
	v17 =	vadd.bf16 v18, v22;
	v18 =	vmul.bf16 v24, v23;
	v19, _, _ =	vpop (xrf2)  }
.LBB2_10:
0x1ef: {  	v20 =	vld [tilespmem:s20+$0xFFFFFFD0];
	v19 =	vsub.f32 $0.0e+00, v19;
	v9 =	vshll.u32 v9, v0;
	v10 =	vshll.u32 v10, v0;
	s18 =	sadd.s32 $0x200, s18;
	v21 =	vpop (erf);
	s21 =	smov.u32 s19  }
0x1f0: {  	v22 =	vld [tilespmem:s18+$0xFFFFFFD0];
	v23 =	vunpack.i.u.bf16.f32 v17;
	v11 =	vmul.bf16 v13, v11;
	v13 =	vadd.bf16 v18, v14  }
0x1f1: {  	v18 =	vadd.f32 $1.000000000e+00, v21;
	v17 =	vunpack.i.l.bf16.f32 v17;
	v14 =	vld [tilespmem:s20+$0xFFFFFFE0];
	v19 =	vmul.f32 $1.442695020e+00, v19  }
0x1f2: {  	v4 =	vshll.u32 v4, v0;
	v17 =	vadd.f32 v17, v23;
	v21 =	vld [tilespmem:s18+$0xFFFFFFE0];
	v23 =	vmul.bf16 v15, v12  }
0x1f3: {  	v5 =	vshrl.u32 v5, $0x3;
	v15 =	vld [tilespmem:s20+$0xFFFFFFF0];
	v1 =	vmul.bf16 v1, v16;
	(erf) = vpow2.f32 v19  }
0x1f4: {  	v8 =	vadd.s32 $0x1, v8;
	v16 =	vld [tilespmem:s18+$0xFFFFFFF0];
	v11 =	vadd.bf16 v23, v11;
	(erf) = vrcp.f32 v18;
	v12 =	vpop (erf);
	(xrf2) =	vadd.scan.msk.f32 $0xffff, v17  }
0x1f5: {  	v7 =	vadd.s32 $0x2, v7;
	v17 =	vld [tilespmem:s20+$0x0];
	v2 =	vadd.bf16 v2, v1;
	v12 =	vadd.f32 $1.000000000e+00, v12  }
0x1f6: {  	s19 =	sadd.s32 $0x8, s19;
	v6 =	vadd.s32 $0x3, v6;
	v9 =	vadd.s32 $0x4, v9;
	v18 =	vld [tilespmem:s18+$0x0];
	v11 =	vadd.bf16 v11, v13;
	v13, _, _ =	vpop (xrf2)  }
0x1f7: {  	p2 =	slt.u32 s19, $0x48;
	v1 =	vld [tilespmem:s18+$0xFFFFFE10];
	v2 =	vadd.bf16 v3, v2;
	v3 =	vsub.f32 $0.0e+00, v13;
	(erf) = vrcp.f32 v12  }
0x1f8: {  	v10 =	vadd.s32 $0x5, v10;
	v12 =	vld [tilespmem:s20+$0xFFFFFE20];
	v13 =	vunpack.i.u.bf16.f32 v11;
	v11 =	vunpack.i.l.bf16.f32 v11  }
0x1f9: {  	v19 =	vld [tilespmem:s18+$0xFFFFFE20];
	v23 =	vunpack.i.u.bf16.f32 v2;
	v2 =	vunpack.i.l.bf16.f32 v2;
	v11 =	vadd.f32 v11, v13  }
0x1fa: {  	v20 =	vmul.bf16 v22, v20;
	v14 =	vmul.bf16 v21, v14;
	v13 =	vld [tilespmem:s20+$0xFFFFFE30];
	v2 =	vadd.f32 v2, v23  }
0x1fb: {  	v4 =	vadd.s32 $0x6, v4;
	v15 =	vmul.bf16 v16, v15;
	v21 =	vld [tilespmem:s18+$0xFFFFFE30];
	v23 =	vmul.bf16 v18, v17  }
0x1fc: {  	v5 =	vshll.u32 v5, v0;
	v8 =	vbroadcast v8, $0x0;
	v24 =	vmul.f32 $1.442695020e+00, v3;
	v17 =	vld [tilespmem:s20+$0xFFFFFE40];
	(xrf2) =	vadd.scan.msk.f32 $0xffff, v2;
	v18 =	vpop (erf)  }
0x1fd: {  	v7 =	vbroadcast v7, $0x0;
	v14 =	vadd.bf16 v14, v20;
	v22 =	vld [tilespmem:s18+$0xFFFFFE40];
	v20 =	vadd.bf16 v23, v15;
	v16 =	vpop (erf)  }
0x1fe: {  	v18 =	vadd.f32 $1.000000000e+00, v18;
	v2 =	vmul.bf16 v19, v12;
	v12 =	vld [tilespmem:s20+$0xFFFFFE50];
	(erf) = vpow2.f32 v24;
	v3, _, _ =	vpop (xrf2)  }
0x1ff: {  	v6 =	vbroadcast v6, $0x0;
	v19 =	vld [tilespmem:s18+$0xFFFFFE50];
	v14 =	vadd.bf16 v20, v14;
	v3 =	vsub.f32 $0.0e+00, v3;
	(xrf2) =	vadd.scan.msk.f32 $0xffff, v11  }
0x200: {  	v9 =	vbroadcast v9, $0x0;
	v11 =	vmul.bf16 v21, v13;
	v13 =	vld [tilespmem:s20+$0xFFFFFE60];
	v15 =	vpop (erf)  }
0x201: {  	v20 =	vld [tilespmem:s18+$0xFFFFFE60];
	v21 =	vunpack.i.u.bf16.f32 v14;
	v14 =	vunpack.i.l.bf16.f32 v14;
	v3 =	vmul.f32 $1.442695020e+00, v3  }
0x202: {  	v17 =	vmul.bf16 v22, v17;
	v22 =	vld [tilespmem:s20+$0xFFFFFE70];
	v14 =	vadd.f32 v14, v21;
	[tilespmem:v8+s25+$0x0] =	vst.idx.msk vm0, v16;
	(erf) = vrcp.f32 v18  }
0x203: {  	v8 =	vld [tilespmem:s18+$0xFFFFFE70];
	[tilespmem:v7+s25+$0x0] =	vst.idx.msk vm0, v15;
	v7 =	vbroadcast v10, $0x0;
	(erf) = vpow2.f32 v3  }
0x204: {  	v4 =	vbroadcast v4, $0x0;
	v3 =	vadd.bf16 v17, v11;
	v10 =	vmul.bf16 v19, v12;
	v11 =	vld [tilespmem:s20+$0xFFFFFE80];
	(xrf2) =	vadd.scan.msk.f32 $0xffff, v14  }
0x205: {  	v5 =	vbroadcast v5, $0x0;
	v12 =	vld [tilespmem:s18+$0xFFFFFE80]  }
0x206: {  	v13 =	vmul.bf16 v20, v13;
	v14 =	vld [tilespmem:s20+$0xFFFFFE90];
	v15, _, _ =	vpop (xrf2)  }
0x207: {  	v16 =	vld [tilespmem:s18+$0xFFFFFE90];
	v15 =	vsub.f32 $0.0e+00, v15;
	v17 =	vpop (erf)  }
0x208: {  	v8 =	vmul.bf16 v8, v22;
	v10 =	vadd.bf16 v13, v10;
	v13 =	vld [tilespmem:s20+$0xFFFFFEA0];
	v17 =	vadd.f32 $1.000000000e+00, v17  }
0x209: {  	v18 =	vld [tilespmem:s18+$0xFFFFFEA0];
	v20 =	vmul.f32 $1.442695020e+00, v15;
	v19, _, _ =	vpop (xrf2)  }
0x20a: {  	v11 =	vmul.bf16 v12, v11;
	v12 =	vld [tilespmem:s20+$0xFFFFFEB0];
	v19 =	vsub.f32 $0.0e+00, v19;
	(erf) = vrcp.f32 v17  }
0x20b: {  	v17 =	vld [tilespmem:s18+$0xFFFFFEB0];
	(erf) = vpow2.f32 v20;
	v15 =	vpop (erf)  }
0x20c: {  	v8 =	vadd.bf16 v11, v8;
	v11 =	vmul.bf16 v16, v14;
	v14 =	vld [tilespmem:s20+$0xFFFFFEC0];
	[tilespmem:v6+s25+$0x0] =	vst.idx.msk vm0, v15;
	v6 =	vmul.f32 $1.442695020e+00, v19;
	v15 =	vpop (erf)  }
0x20d: {  	v16 =	vld [tilespmem:s18+$0xFFFFFEC0];
	v15 =	vadd.f32 $1.000000000e+00, v15  }
0x20e: {  	v8 =	vadd.bf16 v8, v10;
	v10 =	vmul.bf16 v18, v13;
	v13 =	vld [tilespmem:s20+$0xFFFFFED0];
	v18, _, _ =	vpop (xrf2);
	(erf) = vpow2.f32 v6  }
0x20f: {  	v6 =	vld [tilespmem:s18+$0xFFFFFED0];
	v18 =	vsub.f32 $0.0e+00, v18;
	(erf) = vrcp.f32 v15  }
0x210: {  	v15 =	vunpack.i.u.bf16.f32 v8;
	v12 =	vmul.bf16 v17, v12;
	v10 =	vadd.bf16 v10, v11;
	v11 =	vld [tilespmem:s20+$0xFFFFFEE0]  }
0x211: {  	v8 =	vunpack.i.l.bf16.f32 v8;
	v17 =	vld [tilespmem:s18+$0xFFFFFEE0];
	v19 =	vmul.f32 $1.442695020e+00, v18  }
0x212: {  	v20 =	vadd.f32 v8, v15;
	v14 =	vmul.bf16 v16, v14;
	v15 =	vld [tilespmem:s20+$0xFFFFFEF0]  }
0x213: {  	v16 =	vld [tilespmem:s18+$0xFFFFFEF0];
	(erf) = vpow2.f32 v19;
	v18 =	vpop (erf)  }
0x214: {  	v12 =	vadd.bf16 v14, v12;
	v6 =	vmul.bf16 v6, v13;
	v13 =	vld [tilespmem:s20+$0xFFFFFF00];
	(xrf2) =	vadd.scan.msk.f32 $0xffff, v20;
	[tilespmem:v9+s25+$0x0] =	vst.idx.msk vm0, v18;
	v8 =	vpop (erf)  }
0x215: {  	v9 =	vld [tilespmem:s18+$0xFFFFFF00];
	v18 =	vadd.f32 $1.000000000e+00, v8  }
0x216: {  	v10 =	vadd.bf16 v12, v10;
	v11 =	vmul.bf16 v17, v11;
	v12 =	vld [tilespmem:s20+$0xFFFFFF10]  }
0x217: {  	v14 =	vld [tilespmem:s18+$0xFFFFFF10];
	(erf) = vrcp.f32 v18;
	v8 =	vpop (erf)  }
0x218: {  	v17 =	vunpack.i.u.bf16.f32 v10;
	v15 =	vmul.bf16 v16, v15;
	v6 =	vadd.bf16 v11, v6;
	v11 =	vld [tilespmem:s20+$0xFFFFFF20];
	v16 =	vpop (erf)  }
0x219: {  	v10 =	vunpack.i.l.bf16.f32 v10;
	v18 =	vld [tilespmem:s18+$0xFFFFFF20];
	[tilespmem:v7+s25+$0x0] =	vst.idx.msk vm0, v16;
	v7 =	vadd.f32 $1.000000000e+00, v8  }
0x21a: {  	v16 =	vadd.f32 v10, v17;
	v9 =	vmul.bf16 v9, v13;
	v10 =	vld [tilespmem:s20+$0xFFFFFF30]  }
0x21b: {  	v13 =	vld [tilespmem:s18+$0xFFFFFF30];
	(erf) = vrcp.f32 v7  }
0x21c: {  	v7 =	vadd.bf16 v9, v15;
	v9 =	vmul.bf16 v14, v12;
	v12 =	vld [tilespmem:s20+$0xFFFFFF40];
	(xrf2) =	vadd.scan.msk.f32 $0xffff, v16;
	v8 =	vpop (erf)  }
0x21d: {  	s3 =	sadd.s32 s21, s31;
	v14 =	vld [tilespmem:s18+$0xFFFFFF40];
	v8 =	vadd.f32 $1.000000000e+00, v8  }
0x21e: {  	s5 =	sadd.s32 $0xA9, s3;
	s6 =	sadd.s32 $0xAA, s3;
	s7 =	sadd.s32 $0xAF, s3;
	v6 =	vadd.bf16 v7, v6;
	v7 =	vmul.bf16 v18, v11;
	v11 =	vld [tilespmem:s20+$0xFFFFFF50];
	v15, _, _ =	vpop (xrf2)  }
0x21f: {  	s8 =	sadd.s32 $0xAB, s3;
	s13 =	sadd.s32 $0xAC, s3;
	s22 =	sadd.s32 $0xAD, s3;
	v17 =	vmov s7;
	v15 =	vsub.f32 $0.0e+00, v15;
	v16 =	vld [tilespmem:s18+$0xFFFFFF50];
	(erf) = vrcp.f32 v8  }
0x220: {  	s21 =	sadd.s32 $0xA8, s3;
	s3 =	sadd.s32 $0xAE, s3;
	v8 =	vmul.bf16 v13, v10;
	v7 =	vadd.bf16 v7, v9;
	v9 =	vld [tilespmem:s20+$0xFFFFFF60];
	v10 =	vshrl.u32 v17, $0x3;
	v13 =	vpop (erf)  }
0x221: {  	v17 =	vunpack.i.u.bf16.f32 v6;
	v6 =	vunpack.i.l.bf16.f32 v6;
	v18 =	vld [tilespmem:s18+$0xFFFFFF60];
	v10 =	vshll.u32 v10, v0;
	[tilespmem:v5+s25+$0x0] =	vst.idx.msk vm0, v13  }
0x222: {  	v19 =	vadd.f32 v6, v17;
	v6 =	vmul.bf16 v14, v12;
	v12 =	vld [tilespmem:s20+$0xFFFFFF70];
	v10 =	vadd.s32 $0x7, v10  }
0x223: {  	v13 =	vmul.f32 $1.442695020e+00, v15;
	v14 =	vmov s5;
	v15 =	vld [tilespmem:s18+$0xFFFFFF70];
	v10 =	vbroadcast v10, $0x0  }
0x224: {  	v17 =	vmov s6;
	v6 =	vadd.bf16 v6, v8;
	v8 =	vmul.bf16 v16, v11;
	v11 =	vld [tilespmem:s20+$0xFFFFFF80];
	(xrf2) =	vadd.scan.msk.f32 $0xffff, v19;
	v5 =	vpop (erf)  }
0x225: {  	v21 =	vmov s22;
	v16 =	vmov s8;
	v19 =	vmov s13;
	v20 =	vld [tilespmem:s18+$0xFFFFFF80]  }
0x226: {  	v6 =	vadd.bf16 v6, v7;
	v26 =	vmul.bf16 v18, v9;
	v18 =	vld [tilespmem:s20+$0xFFFFFF90];
	(erf) = vpow2.f32 v13;
	v9, _, _ =	vpop (xrf2);
	[tilespmem:v4+s25+$0x0] =	vst.idx.msk vm0, v5  }
0x227: {  	v23 =	vmov s3;
	v22 =	vshrl.u32 v14, $0x3;
	v4 =	vsub.f32 $0.0e+00, v9;
	v5 =	vld [tilespmem:s18+$0xFFFFFF90]  }
0x228: {  	v9 =	vunpack.i.u.bf16.f32 v6;
	v12 =	vmul.bf16 v15, v12;
	v24 =	vadd.bf16 v26, v8;
	v25 =	vld [tilespmem:s20+$0xFFFFFFA0];
	v7 =	vpop (erf)  }
0x229: {  	v15 =	vshrl.u32 v17, $0x3;
	v6 =	vunpack.i.l.bf16.f32 v6;
	v4 =	vmul.f32 $1.442695020e+00, v4;
	v26 =	vld [tilespmem:s18+$0xFFFFFFA0];
	[tilespmem:v10+s25+$0x0] =	vst.idx.msk vm0, v7  }
.Ltmp8:
0x22a: {  	v17 =	vshrl.u32 v16, $0x3;
	v6 =	vadd.f32 v6, v9;
	v7 =	vmul.bf16 v20, v11;
	v11 =	vld [tilespmem:s20+$0xFFFFFFB0];
	(pc) =	sbr.rel @p2 .LBB2_10-.Ltmp8, $4  }
0x22b: {  	v9 =	vshrl.u32 v19, $0x3;
	v10 =	vshrl.u32 v21, $0x3;
	v13 =	vld [tilespmem:s18+$0xFFFFFFB0];
	(erf) = vpow2.f32 v4  }
0x22c: {  	v4 =	vshrl.u32 v23, $0x3;
	v20 =	vadd.bf16 v7, v12;
	v14 =	vmul.bf16 v5, v18;
	v12 =	vld [tilespmem:s20+$0xFFFFFFC0];
	(xrf2) =	vadd.scan.msk.f32 $0xffff, v6  }
0x22d: {  	v8 =	vshll.u32 v22, v0;
	v5 =	vmov s21;
	v7 =	vshll.u32 v15, v0;
	v15 =	vld [tilespmem:s18+$0xFFFFFFC0]  }
0x22e: {  	v6 =	vshll.u32 v17, v0;
	v16 =	vld [tilespmem:s20+$0xFFFFFE10];
	v17 =	vadd.bf16 v20, v24;
	v18 =	vmul.bf16 v26, v25;
	s20 =	sadd.s32 $0x200, s20;
	v19, _, _ =	vpop (xrf2)  }
0x22f: {  	_ =	sdelay $0x3  }
0x230: {  	v49 =	vsub.f32 $0.0e+00, v19;
	v1 =	vmul.bf16 v1, v16  }
0x231: {  	v50 =	vunpack.i.u.bf16.f32 v17;
	v11 =	vmul.bf16 v13, v11;
	v12 =	vmul.bf16 v15, v12  }
0x232: {  	v51 =	vunpack.i.l.bf16.f32 v17;
	v14 =	vadd.bf16 v18, v14;
	v1 =	vadd.bf16 v2, v1  }
0x233: {  	v13 =	vadd.f32 v51, v50;
	v11 =	vadd.bf16 v12, v11  }
0x234: {  	v2 =	vpop (erf);
	v1 =	vadd.bf16 v3, v1  }
0x235: {  	(xrf2) =	vadd.scan.msk.f32 $0xffff, v13;
	v52 =	vpop (erf);
	v2 =	vadd.f32 $1.000000000e+00, v2;
	v11 =	vadd.bf16 v11, v14;
	v3 =	vmul.f32 $1.442695020e+00, v49  }
0x236: {  	v53, _, _ =	vpop (xrf2);
	v12 =	vadd.f32 $1.000000000e+00, v52;
	v54 =	vunpack.i.u.bf16.f32 v1;
	v1 =	vunpack.i.l.bf16.f32 v1  }
0x237: {  	(erf) = vpow2.f32 v3;
	v3 =	vsub.f32 $0.0e+00, v53;
	v1 =	vadd.f32 v1, v54  }
0x238: {  	(erf) = vrcp.f32 v2;
	v2 =	vunpack.i.u.bf16.f32 v11;
	v11 =	vunpack.i.l.bf16.f32 v11  }
0x239: {  	(erf) = vrcp.f32 v12;
	v2 =	vadd.f32 v11, v2;
	v3 =	vmul.f32 $1.442695020e+00, v3;
	(xrf2) =	vadd.scan.msk.f32 $0xffff, v1;
	_ =	sdelay $0x1  }
0x23a: {  	(erf) = vpow2.f32 v3;
	(xrf2) =	vadd.scan.msk.f32 $0xffff, v2;
	_ =	sdelay $0x3  }
0x23b: {  	v1, _, _ =	vpop (xrf2)  }
0x23c: {  	v2 =	vpop (erf)  }
0x23d: {  	v3 =	vpop (erf)  }
0x23e: {  	v55 =	vpop (erf)  }
0x23f: {  	v1 =	vsub.f32 $0.0e+00, v1;
	v56, _, _ =	vpop (xrf2)  }
0x240: {  	v2 =	vadd.f32 $1.000000000e+00, v2;
	v57 =	vpop (erf)  }
0x241: {  	v1 =	vmul.f32 $1.442695020e+00, v1;
	v12 =	vsub.f32 $0.0e+00, v56;
	v58, _, _ =	vpop (xrf2)  }
0x242: {  	(erf) = vrcp.f32 v2;
	v2 =	vadd.f32 $1.000000000e+00, v57;
	v59 =	vsub.f32 $0.0e+00, v58  }
0x243: {  	(erf) = vpow2.f32 v1;
	v1 =	vmul.f32 $1.442695020e+00, v12  }
0x244: {  	(erf) = vrcp.f32 v2;
	v2 =	vmul.f32 $1.442695020e+00, v59  }
0x245: {  	(erf) = vpow2.f32 v1  }
0x246: {  	(erf) = vpow2.f32 v2;
	_ =	sdelay $0x4  }
0x247: {  	v1 =	vpop (erf)  }
0x248: {  	v2 =	vpop (erf)  }
0x249: {  	v60 =	vpop (erf)  }
0x24a: {  	v9 =	vshll.u32 v9, v0;
	v10 =	vshll.u32 v10, v0;
	v2 =	vadd.f32 $1.000000000e+00, v2;
	v61 =	vpop (erf)  }
0x24b: {  	v8 =	vadd.s32 $0x1, v8;
	v7 =	vadd.s32 $0x2, v7;
	v13 =	vadd.f32 $1.000000000e+00, v61;
	v62 =	vpop (erf)  }
0x24c: {  	v8 =	vbroadcast v8, $0x0;
	(erf) = vrcp.f32 v2;
	v2 =	vadd.f32 $1.000000000e+00, v62  }
0x24d: {  	v6 =	vadd.s32 $0x3, v6;
	v7 =	vbroadcast v7, $0x0;
	(erf) = vrcp.f32 v13  }
0x24e: {  	v9 =	vadd.s32 $0x4, v9;
	v6 =	vbroadcast v6, $0x0;
	(erf) = vrcp.f32 v2  }
0x24f: {  	v63 =	vadd.s32 $0x5, v10;
	v9 =	vbroadcast v9, $0x0;
	v2 =	vshrl.u32 v5, $0x3  }
0x250: {  	v4 =	vshll.u32 v4, v0;
	v5 =	vbroadcast v63, $0x0;
	v2 =	vshll.u32 v2, v0  }
0x251: {  	v4 =	vadd.s32 $0x6, v4;
	v2 =	vbroadcast v2, $0x0  }
0x252: {  	[tilespmem:v8+s25+$0x0] =	vst.idx.msk vm0, v3;
	v3 =	vbroadcast v4, $0x0  }
0x253: {  	[tilespmem:v7+s25+$0x0] =	vst.idx.msk vm0, v55  }
0x254: {  	[tilespmem:v6+s25+$0x0] =	vst.idx.msk vm0, v1  }
0x255: {  	[tilespmem:v9+s25+$0x0] =	vst.idx.msk vm0, v60;
	v1 =	vpop (erf)  }
0x256: {  	[tilespmem:v5+s25+$0x0] =	vst.idx.msk vm0, v1;
	v1 =	vpop (erf)  }
0x257: {  	[tilespmem:v2+s25+$0x0] =	vst.idx.msk vm0, v1;
	v1 =	vpop (erf)  }
0x258: {  	[tilespmem:v3+s25+$0x0] =	vst.idx.msk vm0, v1  }
.LBB2_12:
.Ltmp9:
0x259: {  	(pc) =	sbr.rel @p1 .LBB2_16-.Ltmp9, $1  }
0x25a: {  	_ =	sdelay $0x3  }
0x25b: {  	_ =	swait.ge [sflag:s29], $0x1400  }
0x25c: {  	[sflag:s29] =	ssyncset.done $0x0  }
0x25d: {  	[sflag:s29] =	ssyncadd.s32 $0xFFFFEC00  }
0x25e: {  	p1 =	sgt.u32 s0, $0x1D;
	_ =	swait.ge [sflag:s29], $0x1400  }
0x25f: {  	s3 =	sadd.s32 @!p1 $0x1E0, s17;
	[sflag:s29] =	ssyncset.done $0x0  }
0x260: {  	s5 =	simm.s32 @!p1 $0x50;
	s6 =	simm.s32 @!p1 $0x7620;
	[sflag:s29] =	ssyncadd.s32 $0xFFFFEC00  }
0x261: {  	[tilespmem:s6], [sflag:$0x3] =	stream.indirect.gather @!p1 [spmem:s1], $0x40, s3, s5, $0xb8;
	[tilespmem:$0x1B170] =	vst v63  }
0x262: {  	s19 =	simm.s32 $0x8C10;
	s3 =	sadd.s32 @!p1 $0x28F0, s17;
	s6 =	simm.s32 @!p1 $0xC620  }
0x263: {  	[tilespmem:s6], [sflag:$0x3] =	stream.indirect.gather @!p1 [spmem:s1], $0x40, s3, s5, $0xb8;
	[tilespmem:$0x1B170] =	vst v63  }
0x264: {  	s17 =	simm.s32 $0xDC10;
	v2 =	vld [tilespmem:s19+$0xFFFFFFD0]  }
0x265: {  	v3 =	vld [tilespmem:s17+$0xFFFFFFD0]  }
0x266: {  	v4 =	vld [tilespmem:s19+$0xFFFFFFE0]  }
0x267: {  	v5 =	vld [tilespmem:s17+$0xFFFFFFE0]  }
0x268: {  	v6 =	vld [tilespmem:s19+$0xFFFFFFF0]  }
0x269: {  	v7 =	vld [tilespmem:s17+$0xFFFFFFF0]  }
0x26a: {  	v8 =	vld [tilespmem:s19+$0x0]  }
0x26b: {  	v9 =	vld [tilespmem:s17+$0x0]  }
0x26c: {  	v1 =	vld [tilespmem:s17+$0xFFFFFE10]  }
0x26d: {  	v12 =	vld [tilespmem:s19+$0xFFFFFE30]  }
0x26e: {  	v14 =	vld [tilespmem:s19+$0xFFFFFE70]  }
0x26f: {  	v15 =	vld [tilespmem:s19+$0xFFFFFE80]  }
0x270: {  	v16 =	vld [tilespmem:s19+$0xFFFFFE90];
	v2 =	vmul.bf16 v3, v2;
	v3 =	vmul.bf16 v5, v4  }
0x271: {  	v17 =	vld [tilespmem:s17+$0xFFFFFE90];
	v5 =	vmul.bf16 v7, v6;
	v6 =	vmul.bf16 v9, v8  }
0x272: {  	v18 =	vld [tilespmem:s19+$0xFFFFFEA0]  }
0x273: {  	v19 =	vld [tilespmem:s17+$0xFFFFFEA0];
	v2 =	vadd.bf16 v3, v2;
	v3 =	vadd.bf16 v6, v5  }
0x274: {  	v21 =	vld [tilespmem:s17+$0xFFFFFEE0]  }
0x275: {  	v9 =	vld [tilespmem:s17+$0xFFFFFE60];
	v2 =	vadd.bf16 v3, v2  }
0x276: {  	v5 =	vld [tilespmem:s19+$0xFFFFFE50]  }
0x277: {  	v6 =	vld [tilespmem:s17+$0xFFFFFE50];
	v13 =	vunpack.i.u.bf16.f32 v2;
	v2 =	vunpack.i.l.bf16.f32 v2  }
0x278: {  	v3 =	vld [tilespmem:s19+$0xFFFFFE60];
	v2 =	vadd.f32 v2, v13  }
0x279: {  	v4 =	vld [tilespmem:s17+$0xFFFFFE30]  }
0x27a: {  	v13 =	vld [tilespmem:s17+$0xFFFFFE70];
	(xrf2) =	vadd.scan.msk.f32 $0xffff, v2  }
0x27b: {  	v2 =	vld [tilespmem:s17+$0xFFFFFE80]  }
0x27c: {  	v7 =	vld [tilespmem:s19+$0xFFFFFE40]  }
0x27d: {  	v8 =	vld [tilespmem:s17+$0xFFFFFE40];
	v5 =	vmul.bf16 v6, v5;
	v3 =	vmul.bf16 v9, v3  }
0x27e: {  	v6 =	vld [tilespmem:s19+$0xFFFFFEB0]  }
0x27f: {  	v3 =	vadd.bf16 v3, v5;
	v5 =	vld [tilespmem:s17+$0xFFFFFEC0]  }
0x280: {  	v9 =	vmul.bf16 v13, v14;
	v13 =	vld [tilespmem:s17+$0xFFFFFEB0];
	v2 =	vmul.bf16 v2, v15  }
0x281: {  	v14 =	vld [tilespmem:s19+$0xFFFFFEC0]  }
0x282: {  	v16 =	vmul.bf16 v17, v16;
	v17 =	vld [tilespmem:s19+$0xFFFFFEE0];
	v2 =	vadd.bf16 v2, v9  }
0x283: {  	v18 =	vmul.bf16 v19, v18;
	v19 =	vld [tilespmem:s17+$0xFFFFFF20]  }
0x284: {  	v9 =	vld [tilespmem:s19+$0xFFFFFED0];
	v2 =	vadd.bf16 v2, v3;
	v15, _, _ =	vpop (xrf2)  }
0x285: {  	v6 =	vmul.bf16 v13, v6;
	v3 =	vld [tilespmem:s17+$0xFFFFFED0];
	v15 =	vsub.f32 $0.0e+00, v15  }
0x286: {  	v13 =	vld [tilespmem:s19+$0xFFFFFEF0];
	v5 =	vmul.bf16 v5, v14;
	v20 =	vunpack.i.u.bf16.f32 v2;
	v2 =	vunpack.i.l.bf16.f32 v2  }
0x287: {  	v14 =	vld [tilespmem:s17+$0xFFFFFEF0];
	v2 =	vadd.f32 v2, v20;
	v15 =	vmul.f32 $1.442695020e+00, v15  }
0x288: {  	v5 =	vadd.bf16 v5, v6;
	v6 =	vld [tilespmem:s17+$0xFFFFFF00]  }
0x289: {  	(xrf2) =	vadd.scan.msk.f32 $0xffff, v2;
	v2 =	vadd.bf16 v18, v16;
	v16 =	vld [tilespmem:s19+$0xFFFFFF10];
	(erf) = vpow2.f32 v15  }
0x28a: {  	v3 =	vmul.bf16 v3, v9;
	v9 =	vld [tilespmem:s19+$0xFFFFFF20]  }
0x28b: {  	v15 =	vld [tilespmem:s19+$0xFFFFFF00]  }
0x28c: {  	v2 =	vadd.bf16 v5, v2;
	v5 =	vld [tilespmem:s17+$0xFFFFFF10]  }
0x28d: {  	v10 =	vld [tilespmem:s19+$0xFFFFFE20]  }
0x28e: {  	v11 =	vld [tilespmem:s17+$0xFFFFFE20];
	v17 =	vmul.bf16 v21, v17;
	v18 =	vunpack.i.u.bf16.f32 v2;
	v2 =	vunpack.i.l.bf16.f32 v2  }
0x28f: {  	v4 =	vmul.bf16 v4, v12;
	v7 =	vmul.bf16 v8, v7;
	v8 =	vld [tilespmem:s17+$0xFFFFFF30];
	v2 =	vadd.f32 v2, v18  }
0x290: {  	v13 =	vmul.bf16 v14, v13;
	v14 =	vld [tilespmem:s19+$0xFFFFFF30];
	v12 =	vadd.bf16 v17, v3;
	v6 =	vmul.bf16 v6, v15  }
0x291: {  	v3 =	vadd.bf16 v7, v4;
	v4 =	vld [tilespmem:s17+$0xFFFFFF40];
	v9 =	vmul.bf16 v19, v9;
	(xrf2) =	vadd.scan.msk.f32 $0xffff, v2;
	v5 =	vmul.bf16 v5, v16  }
0x292: {  	s18 =	sadd.s32 $0xFFFFFFF8, s31;
	v6 =	vadd.bf16 v6, v13;
	v13 =	vld [tilespmem:s19+$0xFFFFFF40];
	v15 =	vpop (erf)  }
0x293: {  	s7 =	sadd.s32 $0xFF, s18;
	v2 =	vmul.bf16 v11, v10;
	v10 =	vld [tilespmem:s19+$0xFFFFFF50];
	v5 =	vadd.bf16 v9, v5;
	v11, _, _ =	vpop (xrf2);
	v7 =	vadd.f32 $1.000000000e+00, v15  }
0x294: {  	v16 =	vld [tilespmem:s17+$0xFFFFFF70];
	v6 =	vadd.bf16 v6, v12;
	v11 =	vsub.f32 $0.0e+00, v11;
	v15 =	vmov s7  }
0x295: {  	v12 =	vld [tilespmem:s17+$0xFFFFFF50];
	v9 =	vshrl.u32 v15, $0x3;
	(erf) = vrcp.f32 v7;
	v7 =	vmul.bf16 v8, v14  }
0x296: {  	v15 =	vld [tilespmem:s17+$0xFFFFFF60];
	v14 =	vunpack.i.u.bf16.f32 v6;
	v6 =	vunpack.i.l.bf16.f32 v6;
	v9 =	vshll.u32 v9, v0  }
0x297: {  	s22 =	sadd.s32 $0xFE, s18;
	s7 =	sadd.s32 $0xFD, s18;
	v8 =	vld [tilespmem:s19+$0xFFFFFF60];
	v4 =	vmul.bf16 v4, v13;
	v11 =	vmul.f32 $1.442695020e+00, v11;
	v6 =	vadd.f32 v6, v14  }
0x298: {  	s8 =	sadd.s32 $0xF9, s18;
	v20 =	vmov s22;
	v19 =	vmov s7;
	v13 =	vld [tilespmem:s19+$0xFFFFFF70];
	v9 =	vadd.s32 $0x7, v9  }
0x299: {  	s13 =	sadd.s32 $0xFA, s18;
	s21 =	sadd.s32 $0xFC, s18;
	v18 =	vld [tilespmem:s17+$0xFFFFFF80];
	v14 =	vmov s8;
	v17 =	vbroadcast v9, $0x0;
	v4 =	vadd.bf16 v4, v7;
	(xrf2) =	vadd.scan.msk.f32 $0xffff, v6  }
0x29a: {  	s20 =	sadd.s32 $0xFB, s18;
	v9 =	vmov s13;
	v7 =	vmul.bf16 v12, v10;
	v10 =	vld [tilespmem:s19+$0xFFFFFF80];
	v12 =	vmov s21  }
0x29b: {  	v23 =	vld [tilespmem:s19+$0xFFFFFFA0];
	(erf) = vpow2.f32 v11;
	v6 =	vmov s20;
	v4 =	vadd.bf16 v4, v5;
	v11, _, _ =	vpop (xrf2)  }
0x29c: {  	v6 =	vshrl.u32 v6, $0x3;
	v5 =	vmul.bf16 v15, v8;
	v8 =	vld [tilespmem:s19+$0xFFFFFF90];
	v11 =	vsub.f32 $0.0e+00, v11  }
0x29d: {  	v15 =	vshrl.u32 v14, $0x3;
	v14 =	vld [tilespmem:s17+$0xFFFFFF90];
	v16 =	vmul.bf16 v16, v13;
	v63 =	vunpack.i.u.bf16.f32 v4  }
0x29e: {  	v24 =	vld [tilespmem:s17+$0xFFFFFFA0];
	v4 =	vunpack.i.l.bf16.f32 v4;
	v22 =	vadd.bf16 v5, v7;
	v5 =	vmul.f32 $1.442695020e+00, v11  }
0x29f: {  	v13 =	vld [tilespmem:s17+$0xFFFFFFB0];
	v6 =	vshll.u32 v6, v0;
	v21 =	vadd.f32 v4, v63;
	v4 =	vmul.bf16 v18, v10  }
0x2a0: {  	v7 =	vshrl.u32 v9, $0x3;
	v11 =	vld [tilespmem:s19+$0xFFFFFFB0];
	v9 =	vshrl.u32 v12, $0x3;
	(erf) = vpow2.f32 v5  }
0x2a1: {  	v10 =	vshrl.u32 v19, $0x3;
	v12 =	vld [tilespmem:s19+$0xFFFFFFC0];
	v7 =	vshll.u32 v7, v0;
	v18 =	vadd.bf16 v4, v16;
	(xrf2) =	vadd.scan.msk.f32 $0xffff, v21  }
0x2a2: {  	s23 =	sadd.s32 $0xF8, s18;
	v4 =	vshrl.u32 v20, $0x3;
	v14 =	vmul.bf16 v14, v8;
	v8 =	vshll.u32 v15, v0;
	v15 =	vld [tilespmem:s17+$0xFFFFFFC0];
	v5 =	vpop (erf)  }
0x2a3: {  	s18 =	simm.s32 $0x0;
	v16 =	vld [tilespmem:s19+$0xFFFFFE10];
	s19 =	simm.s32 $0x8E10;
	[tilespmem:v17+s25+$0x0] =	vst.idx.msk vm0, v5;
	v5 =	vmov s23;
	v17 =	vadd.bf16 v18, v22;
	v18 =	vmul.bf16 v24, v23;
	v19, _, _ =	vpop (xrf2)  }
.LBB2_14:
0x2a4: {  	v20 =	vld [tilespmem:s19+$0xFFFFFFD0];
	v19 =	vsub.f32 $0.0e+00, v19;
	v9 =	vshll.u32 v9, v0;
	v10 =	vshll.u32 v10, v0;
	s17 =	sadd.s32 $0x200, s17;
	v21 =	vpop (erf);
	s20 =	smov.u32 s18  }
0x2a5: {  	v22 =	vld [tilespmem:s17+$0xFFFFFFD0];
	v23 =	vunpack.i.u.bf16.f32 v17;
	v11 =	vmul.bf16 v13, v11;
	v13 =	vadd.bf16 v18, v14  }
0x2a6: {  	v18 =	vadd.f32 $1.000000000e+00, v21;
	v17 =	vunpack.i.l.bf16.f32 v17;
	v14 =	vld [tilespmem:s19+$0xFFFFFFE0];
	v19 =	vmul.f32 $1.442695020e+00, v19  }
0x2a7: {  	v4 =	vshll.u32 v4, v0;
	v17 =	vadd.f32 v17, v23;
	v21 =	vld [tilespmem:s17+$0xFFFFFFE0];
	v23 =	vmul.bf16 v15, v12  }
0x2a8: {  	v5 =	vshrl.u32 v5, $0x3;
	v15 =	vld [tilespmem:s19+$0xFFFFFFF0];
	v1 =	vmul.bf16 v1, v16;
	(erf) = vpow2.f32 v19  }
0x2a9: {  	v8 =	vadd.s32 $0x1, v8;
	v16 =	vld [tilespmem:s17+$0xFFFFFFF0];
	v11 =	vadd.bf16 v23, v11;
	(erf) = vrcp.f32 v18;
	v12 =	vpop (erf);
	(xrf2) =	vadd.scan.msk.f32 $0xffff, v17  }
0x2aa: {  	v7 =	vadd.s32 $0x2, v7;
	v17 =	vld [tilespmem:s19+$0x0];
	v2 =	vadd.bf16 v2, v1;
	v12 =	vadd.f32 $1.000000000e+00, v12  }
0x2ab: {  	s18 =	sadd.s32 $0x8, s18;
	v6 =	vadd.s32 $0x3, v6;
	v9 =	vadd.s32 $0x4, v9;
	v18 =	vld [tilespmem:s17+$0x0];
	v11 =	vadd.bf16 v11, v13;
	v13, _, _ =	vpop (xrf2)  }
0x2ac: {  	p1 =	slt.u32 s18, $0x48;
	v1 =	vld [tilespmem:s17+$0xFFFFFE10];
	v2 =	vadd.bf16 v3, v2;
	v3 =	vsub.f32 $0.0e+00, v13;
	(erf) = vrcp.f32 v12  }
0x2ad: {  	v10 =	vadd.s32 $0x5, v10;
	v12 =	vld [tilespmem:s19+$0xFFFFFE20];
	v13 =	vunpack.i.u.bf16.f32 v11;
	v11 =	vunpack.i.l.bf16.f32 v11  }
0x2ae: {  	v19 =	vld [tilespmem:s17+$0xFFFFFE20];
	v23 =	vunpack.i.u.bf16.f32 v2;
	v2 =	vunpack.i.l.bf16.f32 v2;
	v11 =	vadd.f32 v11, v13  }
0x2af: {  	v20 =	vmul.bf16 v22, v20;
	v14 =	vmul.bf16 v21, v14;
	v13 =	vld [tilespmem:s19+$0xFFFFFE30];
	v2 =	vadd.f32 v2, v23  }
0x2b0: {  	v4 =	vadd.s32 $0x6, v4;
	v15 =	vmul.bf16 v16, v15;
	v21 =	vld [tilespmem:s17+$0xFFFFFE30];
	v23 =	vmul.bf16 v18, v17  }
0x2b1: {  	v5 =	vshll.u32 v5, v0;
	v8 =	vbroadcast v8, $0x0;
	v24 =	vmul.f32 $1.442695020e+00, v3;
	v17 =	vld [tilespmem:s19+$0xFFFFFE40];
	(xrf2) =	vadd.scan.msk.f32 $0xffff, v2;
	v18 =	vpop (erf)  }
0x2b2: {  	v7 =	vbroadcast v7, $0x0;
	v14 =	vadd.bf16 v14, v20;
	v22 =	vld [tilespmem:s17+$0xFFFFFE40];
	v20 =	vadd.bf16 v23, v15;
	v16 =	vpop (erf)  }
0x2b3: {  	v18 =	vadd.f32 $1.000000000e+00, v18;
	v2 =	vmul.bf16 v19, v12;
	v12 =	vld [tilespmem:s19+$0xFFFFFE50];
	(erf) = vpow2.f32 v24;
	v3, _, _ =	vpop (xrf2)  }
0x2b4: {  	v6 =	vbroadcast v6, $0x0;
	v19 =	vld [tilespmem:s17+$0xFFFFFE50];
	v14 =	vadd.bf16 v20, v14;
	v3 =	vsub.f32 $0.0e+00, v3;
	(xrf2) =	vadd.scan.msk.f32 $0xffff, v11  }
0x2b5: {  	v9 =	vbroadcast v9, $0x0;
	v11 =	vmul.bf16 v21, v13;
	v13 =	vld [tilespmem:s19+$0xFFFFFE60];
	v15 =	vpop (erf)  }
0x2b6: {  	v20 =	vld [tilespmem:s17+$0xFFFFFE60];
	v21 =	vunpack.i.u.bf16.f32 v14;
	v14 =	vunpack.i.l.bf16.f32 v14;
	v3 =	vmul.f32 $1.442695020e+00, v3  }
0x2b7: {  	v17 =	vmul.bf16 v22, v17;
	v22 =	vld [tilespmem:s19+$0xFFFFFE70];
	v14 =	vadd.f32 v14, v21;
	[tilespmem:v8+s25+$0x0] =	vst.idx.msk vm0, v16;
	(erf) = vrcp.f32 v18  }
0x2b8: {  	v8 =	vld [tilespmem:s17+$0xFFFFFE70];
	[tilespmem:v7+s25+$0x0] =	vst.idx.msk vm0, v15;
	v7 =	vbroadcast v10, $0x0;
	(erf) = vpow2.f32 v3  }
0x2b9: {  	v4 =	vbroadcast v4, $0x0;
	v3 =	vadd.bf16 v17, v11;
	v10 =	vmul.bf16 v19, v12;
	v11 =	vld [tilespmem:s19+$0xFFFFFE80];
	(xrf2) =	vadd.scan.msk.f32 $0xffff, v14  }
0x2ba: {  	v5 =	vbroadcast v5, $0x0;
	v12 =	vld [tilespmem:s17+$0xFFFFFE80]  }
0x2bb: {  	v13 =	vmul.bf16 v20, v13;
	v14 =	vld [tilespmem:s19+$0xFFFFFE90];
	v15, _, _ =	vpop (xrf2)  }
0x2bc: {  	v16 =	vld [tilespmem:s17+$0xFFFFFE90];
	v15 =	vsub.f32 $0.0e+00, v15;
	v17 =	vpop (erf)  }
0x2bd: {  	v8 =	vmul.bf16 v8, v22;
	v10 =	vadd.bf16 v13, v10;
	v13 =	vld [tilespmem:s19+$0xFFFFFEA0];
	v17 =	vadd.f32 $1.000000000e+00, v17  }
0x2be: {  	v18 =	vld [tilespmem:s17+$0xFFFFFEA0];
	v20 =	vmul.f32 $1.442695020e+00, v15;
	v19, _, _ =	vpop (xrf2)  }
0x2bf: {  	v11 =	vmul.bf16 v12, v11;
	v12 =	vld [tilespmem:s19+$0xFFFFFEB0];
	v19 =	vsub.f32 $0.0e+00, v19;
	(erf) = vrcp.f32 v17  }
0x2c0: {  	v17 =	vld [tilespmem:s17+$0xFFFFFEB0];
	(erf) = vpow2.f32 v20;
	v15 =	vpop (erf)  }
0x2c1: {  	v8 =	vadd.bf16 v11, v8;
	v11 =	vmul.bf16 v16, v14;
	v14 =	vld [tilespmem:s19+$0xFFFFFEC0];
	[tilespmem:v6+s25+$0x0] =	vst.idx.msk vm0, v15;
	v6 =	vmul.f32 $1.442695020e+00, v19;
	v15 =	vpop (erf)  }
0x2c2: {  	v16 =	vld [tilespmem:s17+$0xFFFFFEC0];
	v15 =	vadd.f32 $1.000000000e+00, v15  }
0x2c3: {  	v8 =	vadd.bf16 v8, v10;
	v10 =	vmul.bf16 v18, v13;
	v13 =	vld [tilespmem:s19+$0xFFFFFED0];
	v18, _, _ =	vpop (xrf2);
	(erf) = vpow2.f32 v6  }
0x2c4: {  	v6 =	vld [tilespmem:s17+$0xFFFFFED0];
	v18 =	vsub.f32 $0.0e+00, v18;
	(erf) = vrcp.f32 v15  }
0x2c5: {  	v15 =	vunpack.i.u.bf16.f32 v8;
	v12 =	vmul.bf16 v17, v12;
	v10 =	vadd.bf16 v10, v11;
	v11 =	vld [tilespmem:s19+$0xFFFFFEE0]  }
0x2c6: {  	v8 =	vunpack.i.l.bf16.f32 v8;
	v17 =	vld [tilespmem:s17+$0xFFFFFEE0];
	v19 =	vmul.f32 $1.442695020e+00, v18  }
0x2c7: {  	v20 =	vadd.f32 v8, v15;
	v14 =	vmul.bf16 v16, v14;
	v15 =	vld [tilespmem:s19+$0xFFFFFEF0]  }
0x2c8: {  	v16 =	vld [tilespmem:s17+$0xFFFFFEF0];
	(erf) = vpow2.f32 v19;
	v18 =	vpop (erf)  }
0x2c9: {  	v12 =	vadd.bf16 v14, v12;
	v6 =	vmul.bf16 v6, v13;
	v13 =	vld [tilespmem:s19+$0xFFFFFF00];
	(xrf2) =	vadd.scan.msk.f32 $0xffff, v20;
	[tilespmem:v9+s25+$0x0] =	vst.idx.msk vm0, v18;
	v8 =	vpop (erf)  }
0x2ca: {  	v9 =	vld [tilespmem:s17+$0xFFFFFF00];
	v18 =	vadd.f32 $1.000000000e+00, v8  }
0x2cb: {  	v10 =	vadd.bf16 v12, v10;
	v11 =	vmul.bf16 v17, v11;
	v12 =	vld [tilespmem:s19+$0xFFFFFF10]  }
0x2cc: {  	v14 =	vld [tilespmem:s17+$0xFFFFFF10];
	(erf) = vrcp.f32 v18;
	v8 =	vpop (erf)  }
0x2cd: {  	v17 =	vunpack.i.u.bf16.f32 v10;
	v15 =	vmul.bf16 v16, v15;
	v6 =	vadd.bf16 v11, v6;
	v11 =	vld [tilespmem:s19+$0xFFFFFF20];
	v16 =	vpop (erf)  }
0x2ce: {  	v10 =	vunpack.i.l.bf16.f32 v10;
	v18 =	vld [tilespmem:s17+$0xFFFFFF20];
	[tilespmem:v7+s25+$0x0] =	vst.idx.msk vm0, v16;
	v7 =	vadd.f32 $1.000000000e+00, v8  }
0x2cf: {  	v16 =	vadd.f32 v10, v17;
	v9 =	vmul.bf16 v9, v13;
	v10 =	vld [tilespmem:s19+$0xFFFFFF30]  }
0x2d0: {  	v13 =	vld [tilespmem:s17+$0xFFFFFF30];
	(erf) = vrcp.f32 v7  }
0x2d1: {  	v7 =	vadd.bf16 v9, v15;
	v9 =	vmul.bf16 v14, v12;
	v12 =	vld [tilespmem:s19+$0xFFFFFF40];
	(xrf2) =	vadd.scan.msk.f32 $0xffff, v16;
	v8 =	vpop (erf)  }
0x2d2: {  	s3 =	sadd.s32 s20, s31;
	v14 =	vld [tilespmem:s17+$0xFFFFFF40];
	v8 =	vadd.f32 $1.000000000e+00, v8  }
0x2d3: {  	s5 =	sadd.s32 $0xF9, s3;
	s6 =	sadd.s32 $0xFA, s3;
	s7 =	sadd.s32 $0xFF, s3;
	v6 =	vadd.bf16 v7, v6;
	v7 =	vmul.bf16 v18, v11;
	v11 =	vld [tilespmem:s19+$0xFFFFFF50];
	v15, _, _ =	vpop (xrf2)  }
0x2d4: {  	s8 =	sadd.s32 $0xFB, s3;
	s13 =	sadd.s32 $0xFC, s3;
	s21 =	sadd.s32 $0xFD, s3;
	v17 =	vmov s7;
	v15 =	vsub.f32 $0.0e+00, v15;
	v16 =	vld [tilespmem:s17+$0xFFFFFF50];
	(erf) = vrcp.f32 v8  }
0x2d5: {  	s20 =	sadd.s32 $0xF8, s3;
	s3 =	sadd.s32 $0xFE, s3;
	v8 =	vmul.bf16 v13, v10;
	v7 =	vadd.bf16 v7, v9;
	v9 =	vld [tilespmem:s19+$0xFFFFFF60];
	v10 =	vshrl.u32 v17, $0x3;
	v13 =	vpop (erf)  }
0x2d6: {  	v17 =	vunpack.i.u.bf16.f32 v6;
	v6 =	vunpack.i.l.bf16.f32 v6;
	v18 =	vld [tilespmem:s17+$0xFFFFFF60];
	v10 =	vshll.u32 v10, v0;
	[tilespmem:v5+s25+$0x0] =	vst.idx.msk vm0, v13  }
0x2d7: {  	v19 =	vadd.f32 v6, v17;
	v6 =	vmul.bf16 v14, v12;
	v12 =	vld [tilespmem:s19+$0xFFFFFF70];
	v10 =	vadd.s32 $0x7, v10  }
0x2d8: {  	v13 =	vmul.f32 $1.442695020e+00, v15;
	v14 =	vmov s5;
	v15 =	vld [tilespmem:s17+$0xFFFFFF70];
	v10 =	vbroadcast v10, $0x0  }
0x2d9: {  	v17 =	vmov s6;
	v6 =	vadd.bf16 v6, v8;
	v8 =	vmul.bf16 v16, v11;
	v11 =	vld [tilespmem:s19+$0xFFFFFF80];
	(xrf2) =	vadd.scan.msk.f32 $0xffff, v19;
	v5 =	vpop (erf)  }
0x2da: {  	v21 =	vmov s21;
	v16 =	vmov s8;
	v19 =	vmov s13;
	v20 =	vld [tilespmem:s17+$0xFFFFFF80]  }
0x2db: {  	v6 =	vadd.bf16 v6, v7;
	v26 =	vmul.bf16 v18, v9;
	v18 =	vld [tilespmem:s19+$0xFFFFFF90];
	(erf) = vpow2.f32 v13;
	v9, _, _ =	vpop (xrf2);
	[tilespmem:v4+s25+$0x0] =	vst.idx.msk vm0, v5  }
0x2dc: {  	v23 =	vmov s3;
	v22 =	vshrl.u32 v14, $0x3;
	v4 =	vsub.f32 $0.0e+00, v9;
	v5 =	vld [tilespmem:s17+$0xFFFFFF90]  }
0x2dd: {  	v9 =	vunpack.i.u.bf16.f32 v6;
	v12 =	vmul.bf16 v15, v12;
	v24 =	vadd.bf16 v26, v8;
	v25 =	vld [tilespmem:s19+$0xFFFFFFA0];
	v7 =	vpop (erf)  }
0x2de: {  	v15 =	vshrl.u32 v17, $0x3;
	v6 =	vunpack.i.l.bf16.f32 v6;
	v4 =	vmul.f32 $1.442695020e+00, v4;
	v26 =	vld [tilespmem:s17+$0xFFFFFFA0];
	[tilespmem:v10+s25+$0x0] =	vst.idx.msk vm0, v7  }
.Ltmp10:
0x2df: {  	v17 =	vshrl.u32 v16, $0x3;
	v6 =	vadd.f32 v6, v9;
	v7 =	vmul.bf16 v20, v11;
	v11 =	vld [tilespmem:s19+$0xFFFFFFB0];
	(pc) =	sbr.rel @p1 .LBB2_14-.Ltmp10, $4  }
0x2e0: {  	v9 =	vshrl.u32 v19, $0x3;
	v10 =	vshrl.u32 v21, $0x3;
	v13 =	vld [tilespmem:s17+$0xFFFFFFB0];
	(erf) = vpow2.f32 v4  }
0x2e1: {  	v4 =	vshrl.u32 v23, $0x3;
	v20 =	vadd.bf16 v7, v12;
	v14 =	vmul.bf16 v5, v18;
	v12 =	vld [tilespmem:s19+$0xFFFFFFC0];
	(xrf2) =	vadd.scan.msk.f32 $0xffff, v6  }
0x2e2: {  	v8 =	vshll.u32 v22, v0;
	v5 =	vmov s20;
	v7 =	vshll.u32 v15, v0;
	v15 =	vld [tilespmem:s17+$0xFFFFFFC0]  }
0x2e3: {  	v6 =	vshll.u32 v17, v0;
	v16 =	vld [tilespmem:s19+$0xFFFFFE10];
	v17 =	vadd.bf16 v20, v24;
	v18 =	vmul.bf16 v26, v25;
	s19 =	sadd.s32 $0x200, s19;
	v19, _, _ =	vpop (xrf2)  }
0x2e4: {  	_ =	sdelay $0x3  }
0x2e5: {  	v49 =	vsub.f32 $0.0e+00, v19;
	v1 =	vmul.bf16 v1, v16  }
0x2e6: {  	v50 =	vunpack.i.u.bf16.f32 v17;
	v11 =	vmul.bf16 v13, v11;
	v12 =	vmul.bf16 v15, v12  }
0x2e7: {  	v51 =	vunpack.i.l.bf16.f32 v17;
	v14 =	vadd.bf16 v18, v14;
	v1 =	vadd.bf16 v2, v1  }
0x2e8: {  	v13 =	vadd.f32 v51, v50;
	v11 =	vadd.bf16 v12, v11  }
0x2e9: {  	v2 =	vpop (erf);
	v1 =	vadd.bf16 v3, v1  }
0x2ea: {  	(xrf2) =	vadd.scan.msk.f32 $0xffff, v13;
	v52 =	vpop (erf);
	v2 =	vadd.f32 $1.000000000e+00, v2;
	v11 =	vadd.bf16 v11, v14;
	v3 =	vmul.f32 $1.442695020e+00, v49  }
0x2eb: {  	v53, _, _ =	vpop (xrf2);
	v12 =	vadd.f32 $1.000000000e+00, v52;
	v54 =	vunpack.i.u.bf16.f32 v1;
	v1 =	vunpack.i.l.bf16.f32 v1  }
0x2ec: {  	(erf) = vpow2.f32 v3;
	v3 =	vsub.f32 $0.0e+00, v53;
	v1 =	vadd.f32 v1, v54  }
0x2ed: {  	(erf) = vrcp.f32 v2;
	v2 =	vunpack.i.u.bf16.f32 v11;
	v11 =	vunpack.i.l.bf16.f32 v11  }
0x2ee: {  	(erf) = vrcp.f32 v12;
	v2 =	vadd.f32 v11, v2;
	v3 =	vmul.f32 $1.442695020e+00, v3;
	(xrf2) =	vadd.scan.msk.f32 $0xffff, v1;
	_ =	sdelay $0x1  }
0x2ef: {  	(erf) = vpow2.f32 v3;
	(xrf2) =	vadd.scan.msk.f32 $0xffff, v2;
	_ =	sdelay $0x3  }
0x2f0: {  	v1, _, _ =	vpop (xrf2)  }
0x2f1: {  	v2 =	vpop (erf)  }
0x2f2: {  	v3 =	vpop (erf)  }
0x2f3: {  	v55 =	vpop (erf)  }
0x2f4: {  	v1 =	vsub.f32 $0.0e+00, v1;
	v56, _, _ =	vpop (xrf2)  }
0x2f5: {  	v2 =	vadd.f32 $1.000000000e+00, v2;
	v57 =	vpop (erf)  }
0x2f6: {  	v1 =	vmul.f32 $1.442695020e+00, v1;
	v12 =	vsub.f32 $0.0e+00, v56;
	v58, _, _ =	vpop (xrf2)  }
0x2f7: {  	(erf) = vrcp.f32 v2;
	v2 =	vadd.f32 $1.000000000e+00, v57;
	v59 =	vsub.f32 $0.0e+00, v58  }
0x2f8: {  	(erf) = vpow2.f32 v1;
	v1 =	vmul.f32 $1.442695020e+00, v12  }
0x2f9: {  	(erf) = vrcp.f32 v2;
	v2 =	vmul.f32 $1.442695020e+00, v59  }
0x2fa: {  	(erf) = vpow2.f32 v1  }
0x2fb: {  	(erf) = vpow2.f32 v2;
	_ =	sdelay $0x4  }
0x2fc: {  	v1 =	vpop (erf)  }
0x2fd: {  	v2 =	vpop (erf)  }
0x2fe: {  	v60 =	vpop (erf)  }
0x2ff: {  	v9 =	vshll.u32 v9, v0;
	v10 =	vshll.u32 v10, v0;
	v2 =	vadd.f32 $1.000000000e+00, v2;
	v61 =	vpop (erf)  }
0x300: {  	v8 =	vadd.s32 $0x1, v8;
	v7 =	vadd.s32 $0x2, v7;
	v13 =	vadd.f32 $1.000000000e+00, v61;
	v62 =	vpop (erf)  }
0x301: {  	v8 =	vbroadcast v8, $0x0;
	(erf) = vrcp.f32 v2;
	v2 =	vadd.f32 $1.000000000e+00, v62  }
0x302: {  	v6 =	vadd.s32 $0x3, v6;
	v7 =	vbroadcast v7, $0x0;
	(erf) = vrcp.f32 v13  }
0x303: {  	v9 =	vadd.s32 $0x4, v9;
	v6 =	vbroadcast v6, $0x0;
	(erf) = vrcp.f32 v2  }
0x304: {  	v63 =	vadd.s32 $0x5, v10;
	v9 =	vbroadcast v9, $0x0;
	v2 =	vshrl.u32 v5, $0x3  }
0x305: {  	v4 =	vshll.u32 v4, v0;
	v5 =	vbroadcast v63, $0x0;
	v2 =	vshll.u32 v2, v0  }
0x306: {  	v4 =	vadd.s32 $0x6, v4;
	v2 =	vbroadcast v2, $0x0  }
0x307: {  	[tilespmem:v8+s25+$0x0] =	vst.idx.msk vm0, v3;
	v3 =	vbroadcast v4, $0x0  }
0x308: {  	[tilespmem:v7+s25+$0x0] =	vst.idx.msk vm0, v55  }
.Ltmp11:
0x309: {  	[tilespmem:v6+s25+$0x0] =	vst.idx.msk vm0, v1;
	(pc) =	sbr.rel .LBB2_16-.Ltmp11, $4  }
0x30a: {  	[tilespmem:v9+s25+$0x0] =	vst.idx.msk vm0, v60;
	v1 =	vpop (erf)  }
0x30b: {  	[tilespmem:v5+s25+$0x0] =	vst.idx.msk vm0, v1;
	v1 =	vpop (erf)  }
0x30c: {  	[tilespmem:v2+s25+$0x0] =	vst.idx.msk vm0, v1;
	v1 =	vpop (erf)  }
0x30d: {  	[tilespmem:v3+s25+$0x0] =	vst.idx.msk vm0, v1  }
.LBB2_18:
0x30e: {  	_ =	sfence.sel $0x180000  }
0x30f: {  	[bflag:$0x0] =	sbarrier.arrive $0xFFFF  }
0x310: {  	_ =	strace $0x90000047  }
0x311: {  	[bflag:$0x2] =	sbarrier.arrive $0xFFFF  }
0x312: {  	s0 =	rddreg [dreg:$0x3]  }
0x313: {  	s0 =	sadd.s32 @!p0 $0x100000, s0  }
0x314: {  	[sflag:s0] =	ssyncadd.tile.s32 @!p0 $0x1;
	_ =	shalt  }
.Lfunc_end2:
_tile_overlayer_lowered:
.L_overlay_start_2:
0x315: {  	(tag) =	ssettag $0x2  }
0x316: {  	s0 =	rddreg [dreg:$0x0];
	s2 =	stileid.u32  }
0x317: {  	s1 =	rddreg [dreg:$0x1];
	p0 =	sne.s32 s2, $0x0  }
0x318: {  	s3 =	rddreg [dreg:$0x2];
	[bflag:$0x3] =	sbarrier.arrive $0xFFFF;
	s2 =	simm.s32 @!p0 $0x1C05  }
0x319: {  	[timem:s3], [sflag:s2] =	dma.local @!p0 [hbm:s0], s1  }
0x31a: {  	s0 =	simm.s32 @!p0 $0x5  }
0x31b: {  	_ =	swait.ge @!p0 [sflag:s0], s1  }
0x31c: {  	s1 =	ssub.s32 @!p0 $0x0, s1;
	[sflag:s0] =	ssyncset.done @!p0 $0x0  }
0x31d: {  	[sflag:s0] =	ssyncadd.s32 @!p0 s1  }
0x31e: {  	[bflag:$0x3] =	sbarrier.arrive $0xFFFF  }
0x31f: {  	_ =	shalt  }

</sc_bundles>
